<compile_context>
chip_gen: v7x
topology: tpu7x:2x2x1
jax: 0.10.2.dev20260603
libtpu: 0.0.44.dev20260713+nightly
codegen_flags: <defaults>
</compile_context>

<pallas_src>
import functools

import jax
import jax.numpy as jnp
from jax import lax
from jax.experimental import pallas as pl
from jax.experimental.pallas import tpu as pltpu
from jax.experimental.pallas import tpu_sc as plsc

NC = 2
NS = 16
NW = NC * NS
BLK = 512
NBUF = 6
G = 3


@functools.partial(jax.jit, static_argnames=("emb",))
def _emb_lookup(xf, W, *, emb):
    n_blocks = xf.shape[0]
    nb = n_blocks // NW
    mesh = plsc.VectorSubcoreMesh(
        core_axis_name="c", subcore_axis_name="s", num_cores=NC, num_subcores=NS
    )

    @functools.partial(
        pl.kernel,
        out_type=jax.ShapeDtypeStruct((n_blocks, BLK, emb), jnp.float32),
        mesh=mesh,
        scratch_types=[
            pltpu.VMEM((nb, BLK), jnp.int32),
            pltpu.VMEM((NBUF, BLK, emb), jnp.float32),
            pltpu.SemaphoreType.DMA,
            [pltpu.SemaphoreType.DMA] * NBUF,
            [pltpu.SemaphoreType.DMA] * NBUF,
        ],
        compiler_params=pltpu.CompilerParams(use_tc_tiling_on_sc=False),
    )
    def k(x_hbm, w_hbm, out_hbm, idx_v, rows_v, isem, gsems, osems):
        wid = lax.axis_index("s") * NC + lax.axis_index("c")
        blk0 = wid * nb

        def fire_gather(j, b):
            pltpu.async_copy(w_hbm.at[idx_v.at[j]], rows_v.at[b], gsems[b])

        def wait_gather(b):
            pltpu.make_async_copy(
                w_hbm.at[idx_v.at[0]], rows_v.at[b], gsems[b]
            ).wait()

        def fire_out(j, b):
            pltpu.async_copy(rows_v.at[b], out_hbm.at[blk0 + j], osems[b])

        def wait_out(b):
            pltpu.make_async_copy(
                rows_v.at[b], out_hbm.at[0], osems[b]
            ).wait()

        pltpu.async_copy(x_hbm.at[pl.ds(blk0, nb)], idx_v, isem)
        pltpu.make_async_copy(x_hbm.at[pl.ds(0, nb)], idx_v, isem).wait()

        for j in range(G):
            fire_gather(j, j)

        for j in range(0, NBUF):
            b = j % NBUF
            wait_gather(b)
            fire_out(j, b)
            if j + G <= nb - 1:
                bg = (j + G) % NBUF
                if j + G >= NBUF:
                    wait_out(bg)
                fire_gather(j + G, bg)

        n_mid = (nb - G - NBUF) // NBUF

        def body(k_, carry):
            for t in range(NBUF):
                j = NBUF * k_ + t
                b = t
                bg = (t + G) % NBUF
                wait_gather(b)
                fire_out(j, b)
                wait_out(bg)
                fire_gather(j + G, bg)
            return carry

        lax.fori_loop(1, 1 + n_mid, body, 0)

        for j in range(NBUF * (1 + n_mid), nb):
            b = j % NBUF
            wait_gather(b)
            fire_out(j, b)
            if j + G <= nb - 1:
                bg = (j + G) % NBUF
                wait_out(bg)
                fire_gather(j + G, bg)

        for j in range(nb - NBUF, nb):
            wait_out(j % NBUF)

    return k(xf, W)


def kernel(x, W):
    x2 = x if x.ndim > 1 else x.reshape(x.shape[0], 1)
    seq, batch = x2.shape
    emb = W.shape[1]
    xf = x2.astype(jnp.int32).reshape(-1, BLK)
    out = _emb_lookup(xf, W, emb=emb)
    return out.reshape(seq, batch, emb)

# --- scband reference (transcript-rebuilt; emitter-appended) ---
"""Pipeline reference for scband-embedding-88175678587162 (READ-ONLY COPY).

The authoritative reference and input builder live on the scoring server;
editing this copy changes nothing except your own understanding.
"""

import jax, jax.numpy as jnp
import numpy as np

VOCAB = 1000000
EMB_DIM = 32
SEQ_LEN = 200
BATCH = 4096

def setup_inputs(seed: int = 0) -> dict:
    key = jax.random.key(seed)
    k_idx, k_w = jax.random.split(key)
    x = jax.random.randint(k_idx, (SEQ_LEN, BATCH), 0, VOCAB, dtype=jnp.int64 if jax.config.jax_enable_x64 else jnp.int32)
    W = jax.random.normal(k_w, (VOCAB, EMB_DIM), dtype=jnp.float32)
    return {"x": x, "W": W}

def reference(x, W):
    # Faithful to Embedding.apply_emb with a 2-D padded tensor input and pack=False:
    # emb = self.emb(x).reshape(seq_len, batch, -1)
    if x.ndim > 1:
        shape = (x.shape[0], x.shape[1], -1)
    else:
        shape = (x.shape[0], 1, -1)
    emb = jnp.take(W, x, axis=0).reshape(*shape)
    return emb

if __name__ == "__main__":
    import jax
    _d = setup_inputs()
    print(jax.jit(kernel)(*tuple(_d.values())))

</pallas_src>

<mosaic_0001>
#map = affine_map<(d0, d1) -> (0, 0)>
#map1 = affine_map<(d0, d1) -> (0, 0, 0)>
module attributes {stable_mosaic.version = 14 : i64} {
  func.func @k(%arg0: i32, %arg1: i32, %arg2: memref<1600x512xi32, #tpu.memory_space<hbm>>, %arg3: memref<1000000x32xf32, #tpu.memory_space<hbm>>, %arg4: memref<1600x512x32xf32, #tpu.memory_space<hbm>>, %arg5: memref<50x512xi32, #tpu.memory_space<vmem>>, %arg6: memref<6x512x32xf32, #tpu.memory_space<vmem>>, %arg7: memref<!tpu.dma_semaphore, #tpu.memory_space<semaphore_mem>>, %arg8: memref<!tpu.dma_semaphore, #tpu.memory_space<semaphore_mem>>, %arg9: memref<!tpu.dma_semaphore, #tpu.memory_space<semaphore_mem>>, %arg10: memref<!tpu.dma_semaphore, #tpu.memory_space<semaphore_mem>>, %arg11: memref<!tpu.dma_semaphore, #tpu.memory_space<semaphore_mem>>, %arg12: memref<!tpu.dma_semaphore, #tpu.memory_space<semaphore_mem>>, %arg13: memref<!tpu.dma_semaphore, #tpu.memory_space<semaphore_mem>>, %arg14: memref<!tpu.dma_semaphore, #tpu.memory_space<semaphore_mem>>, %arg15: memref<!tpu.dma_semaphore, #tpu.memory_space<semaphore_mem>>, %arg16: memref<!tpu.dma_semaphore, #tpu.memory_space<semaphore_mem>>, %arg17: memref<!tpu.dma_semaphore, #tpu.memory_space<semaphore_mem>>, %arg18: memref<!tpu.dma_semaphore, #tpu.memory_space<semaphore_mem>>, %arg19: memref<!tpu.dma_semaphore, #tpu.memory_space<semaphore_mem>>) attributes {dimension_semantics = [#tpu.dimension_semantics<core_parallel>, #tpu.dimension_semantics<subcore_parallel>], iteration_bounds = array<i64: 2, 16>, scalar_prefetch = 0 : i64, scratch_operands = 15 : i64, tpu.core_type = #tpu.core_type<sc_vector_subcore>, window_params = [{transform_indices = #map}, {transform_indices = #map}, {transform_indices = #map1}]} {
    %mul3A = arith.constant 2 : i32
    %mul3A_0 = arith.muli %arg1, %mul3A : i32
    %add3A = arith.addi %mul3A_0, %arg0 : i32
    %mul3A_1 = arith.constant 50 : i32
    %mul3A_2 = arith.muli %add3A, %mul3A_1 : i32
    %dma_start3A = arith.constant 0 : i32
    %dma_start3A_3 = tpu.memref_slice %arg2[%mul3A_2, %dma_start3A] : memref<1600x512xi32, #tpu.memory_space<hbm>> -> memref<50x512xi32, #tpu.memory_space<hbm>>
    %dma_start3A_4 = arith.constant 0 : i32
    %dma_start3A_5 = tpu.memref_slice %arg2[%mul3A_2, %dma_start3A_4] : memref<1600x512xi32, #tpu.memory_space<hbm>> -> memref<50x512xi32, #tpu.memory_space<hbm>>
    tpu.enqueue_dma source(%dma_start3A_5 : memref<50x512xi32, #tpu.memory_space<hbm>>) target(%arg5 : memref<50x512xi32, #tpu.memory_space<vmem>>) target_semaphore(%arg7 : memref<!tpu.dma_semaphore, #tpu.memory_space<semaphore_mem>>)
    %dma_wait3A = arith.constant 0 : i32
    %dma_wait3A_6 = arith.constant 0 : i32
    %dma_wait3A_7 = tpu.memref_slice %arg2[%dma_wait3A, %dma_wait3A_6] : memref<1600x512xi32, #tpu.memory_space<hbm>> -> memref<50x512xi32, #tpu.memory_space<hbm>>
    %dma_wait3A_8 = arith.constant 0 : i32
    %dma_wait3A_9 = arith.constant 0 : i32
    %dma_wait3A_10 = tpu.memref_slice %arg2[%dma_wait3A_8, %dma_wait3A_9] : memref<1600x512xi32, #tpu.memory_space<hbm>> -> memref<50x512xi32, #tpu.memory_space<hbm>>
    tpu.wait_dma2 semaphore(%arg7 : memref<!tpu.dma_semaphore, #tpu.memory_space<semaphore_mem>>) src(%dma_wait3A_10 : memref<50x512xi32, #tpu.memory_space<hbm>>) dst(%arg5 : memref<50x512xi32, #tpu.memory_space<vmem>>)
    %dma_start3A_11 = arith.constant 0 : i32
    %dma_start3A_12 = arith.constant 0 : i32
    %dma_start3A_13 = arith.constant 0 : i32
    %dma_start3A_14 = arith.constant 0 : i32
    %dma_start3A_15 = tpu.memref_slice %arg6[%dma_start3A_12, %dma_start3A_13, %dma_start3A_14] : memref<6x512x32xf32, #tpu.memory_space<vmem>> -> memref<1x512x32xf32, #tpu.memory_space<vmem>>
    %dma_start3A_16 = tpu.memref_squeeze %dma_start3A_15 : memref<1x512x32xf32, #tpu.memory_space<vmem>> -> memref<512x32xf32, #tpu.memory_space<vmem>>
    %dma_start3A_17 = arith.constant 0 : i32
    %dma_start3A_18 = tpu.memref_slice %arg5[%dma_start3A_11, %dma_start3A_17] : memref<50x512xi32, #tpu.memory_space<vmem>> -> memref<1x512xi32, #tpu.memory_space<vmem>>
    %dma_start3A_19 = tpu.memref_squeeze %dma_start3A_18 : memref<1x512xi32, #tpu.memory_space<vmem>> -> memref<512xi32, #tpu.memory_space<vmem>>
    %dma_start3A_20 = arith.constant 0 : i32
    %dma_start3A_21 = arith.constant 0 : i32
    %dma_start3A_22 = tpu.memref_slice %arg3[%dma_start3A_20, %dma_start3A_21] : memref<1000000x32xf32, #tpu.memory_space<hbm>> -> memref<1000000x32xf32, #tpu.memory_space<hbm>>
    tpu.enqueue_indirect_dma source(%dma_start3A_22 : memref<1000000x32xf32, #tpu.memory_space<hbm>>) target(%dma_start3A_16 : memref<512x32xf32, #tpu.memory_space<vmem>>) offsets(%dma_start3A_19 : memref<512xi32, #tpu.memory_space<vmem>>) semaphore(%arg8 : memref<!tpu.dma_semaphore, #tpu.memory_space<semaphore_mem>>)
    %dma_start3A_23 = arith.constant 1 : i32
    %dma_start3A_24 = arith.constant 1 : i32
    %dma_start3A_25 = arith.constant 0 : i32
    %dma_start3A_26 = arith.constant 0 : i32
    %dma_start3A_27 = tpu.memref_slice %arg6[%dma_start3A_24, %dma_start3A_25, %dma_start3A_26] : memref<6x512x32xf32, #tpu.memory_space<vmem>> -> memref<1x512x32xf32, #tpu.memory_space<vmem>>
    %dma_start3A_28 = tpu.memref_squeeze %dma_start3A_27 : memref<1x512x32xf32, #tpu.memory_space<vmem>> -> memref<512x32xf32, #tpu.memory_space<vmem>>
    %dma_start3A_29 = arith.constant 0 : i32
    %dma_start3A_30 = tpu.memref_slice %arg5[%dma_start3A_23, %dma_start3A_29] : memref<50x512xi32, #tpu.memory_space<vmem>> -> memref<1x512xi32, #tpu.memory_space<vmem>>
    %dma_start3A_31 = tpu.memref_squeeze %dma_start3A_30 : memref<1x512xi32, #tpu.memory_space<vmem>> -> memref<512xi32, #tpu.memory_space<vmem>>
    %dma_start3A_32 = arith.constant 0 : i32
    %dma_start3A_33 = arith.constant 0 : i32
    %dma_start3A_34 = tpu.memref_slice %arg3[%dma_start3A_32, %dma_start3A_33] : memref<1000000x32xf32, #tpu.memory_space<hbm>> -> memref<1000000x32xf32, #tpu.memory_space<hbm>>
    tpu.enqueue_indirect_dma source(%dma_start3A_34 : memref<1000000x32xf32, #tpu.memory_space<hbm>>) target(%dma_start3A_28 : memref<512x32xf32, #tpu.memory_space<vmem>>) offsets(%dma_start3A_31 : memref<512xi32, #tpu.memory_space<vmem>>) semaphore(%arg9 : memref<!tpu.dma_semaphore, #tpu.memory_space<semaphore_mem>>)
    %dma_start3A_35 = arith.constant 2 : i32
    %dma_start3A_36 = arith.constant 2 : i32
    %dma_start3A_37 = arith.constant 0 : i32
    %dma_start3A_38 = arith.constant 0 : i32
    %dma_start3A_39 = tpu.memref_slice %arg6[%dma_start3A_36, %dma_start3A_37, %dma_start3A_38] : memref<6x512x32xf32, #tpu.memory_space<vmem>> -> memref<1x512x32xf32, #tpu.memory_space<vmem>>
    %dma_start3A_40 = tpu.memref_squeeze %dma_start3A_39 : memref<1x512x32xf32, #tpu.memory_space<vmem>> -> memref<512x32xf32, #tpu.memory_space<vmem>>
    %dma_start3A_41 = arith.constant 0 : i32
    %dma_start3A_42 = tpu.memref_slice %arg5[%dma_start3A_35, %dma_start3A_41] : memref<50x512xi32, #tpu.memory_space<vmem>> -> memref<1x512xi32, #tpu.memory_space<vmem>>
    %dma_start3A_43 = tpu.memref_squeeze %dma_start3A_42 : memref<1x512xi32, #tpu.memory_space<vmem>> -> memref<512xi32, #tpu.memory_space<vmem>>
    %dma_start3A_44 = arith.constant 0 : i32
    %dma_start3A_45 = arith.constant 0 : i32
    %dma_start3A_46 = tpu.memref_slice %arg3[%dma_start3A_44, %dma_start3A_45] : memref<1000000x32xf32, #tpu.memory_space<hbm>> -> memref<1000000x32xf32, #tpu.memory_space<hbm>>
    tpu.enqueue_indirect_dma source(%dma_start3A_46 : memref<1000000x32xf32, #tpu.memory_space<hbm>>) target(%dma_start3A_40 : memref<512x32xf32, #tpu.memory_space<vmem>>) offsets(%dma_start3A_43 : memref<512xi32, #tpu.memory_space<vmem>>) semaphore(%arg10 : memref<!tpu.dma_semaphore, #tpu.memory_space<semaphore_mem>>)
    %dma_wait3A_47 = arith.constant 0 : i32
    %dma_wait3A_48 = arith.constant 0 : i32
    %dma_wait3A_49 = arith.constant 0 : i32
    %dma_wait3A_50 = arith.constant 0 : i32
    %dma_wait3A_51 = tpu.memref_slice %arg6[%dma_wait3A_48, %dma_wait3A_49, %dma_wait3A_50] : memref<6x512x32xf32, #tpu.memory_space<vmem>> -> memref<1x512x32xf32, #tpu.memory_space<vmem>>
    %dma_wait3A_52 = tpu.memref_squeeze %dma_wait3A_51 : memref<1x512x32xf32, #tpu.memory_space<vmem>> -> memref<512x32xf32, #tpu.memory_space<vmem>>
    %dma_wait3A_53 = arith.constant 0 : i32
    %dma_wait3A_54 = tpu.memref_slice %arg5[%dma_wait3A_47, %dma_wait3A_53] : memref<50x512xi32, #tpu.memory_space<vmem>> -> memref<1x512xi32, #tpu.memory_space<vmem>>
    %dma_wait3A_55 = tpu.memref_squeeze %dma_wait3A_54 : memref<1x512xi32, #tpu.memory_space<vmem>> -> memref<512xi32, #tpu.memory_space<vmem>>
    %dma_wait3A_56 = arith.constant 0 : i32
    %dma_wait3A_57 = arith.constant 0 : i32
    %dma_wait3A_58 = tpu.memref_slice %arg3[%dma_wait3A_56, %dma_wait3A_57] : memref<1000000x32xf32, #tpu.memory_space<hbm>> -> memref<1000000x32xf32, #tpu.memory_space<hbm>>
    tpu.wait_indirect_dma semaphore(%arg8 : memref<!tpu.dma_semaphore, #tpu.memory_space<semaphore_mem>>) src(%dma_wait3A_58 : memref<1000000x32xf32, #tpu.memory_space<hbm>>) dst(%dma_wait3A_52 : memref<512x32xf32, #tpu.memory_space<vmem>>)
    %add3A_59 = arith.constant 0 : i32
    %add3A_60 = arith.addi %mul3A_2, %add3A_59 : i32
    %dma_start3A_61 = arith.constant 0 : i32
    %dma_start3A_62 = arith.constant 0 : i32
    %dma_start3A_63 = arith.constant 0 : i32
    %dma_start3A_64 = tpu.memref_slice %arg6[%dma_start3A_61, %dma_start3A_62, %dma_start3A_63] : memref<6x512x32xf32, #tpu.memory_space<vmem>> -> memref<1x512x32xf32, #tpu.memory_space<vmem>>
    %dma_start3A_65 = tpu.memref_squeeze %dma_start3A_64 : memref<1x512x32xf32, #tpu.memory_space<vmem>> -> memref<512x32xf32, #tpu.memory_space<vmem>>
    %dma_start3A_66 = arith.constant 0 : i32
    %dma_start3A_67 = arith.constant 0 : i32
    %dma_start3A_68 = tpu.memref_slice %arg4[%add3A_60, %dma_start3A_66, %dma_start3A_67] : memref<1600x512x32xf32, #tpu.memory_space<hbm>> -> memref<1x512x32xf32, #tpu.memory_space<hbm>>
    %dma_start3A_69 = tpu.memref_squeeze %dma_start3A_68 : memref<1x512x32xf32, #tpu.memory_space<hbm>> -> memref<512x32xf32, #tpu.memory_space<hbm>>
    %dma_start3A_70 = arith.constant 0 : i32
    %dma_start3A_71 = arith.constant 0 : i32
    %dma_start3A_72 = tpu.memref_slice %arg4[%add3A_60, %dma_start3A_70, %dma_start3A_71] : memref<1600x512x32xf32, #tpu.memory_space<hbm>> -> memref<1x512x32xf32, #tpu.memory_space<hbm>>
    %dma_start3A_73 = tpu.memref_squeeze %dma_start3A_72 : memref<1x512x32xf32, #tpu.memory_space<hbm>> -> memref<512x32xf32, #tpu.memory_space<hbm>>
    %dma_start3A_74 = arith.constant 0 : i32
    %dma_start3A_75 = arith.constant 0 : i32
    %dma_start3A_76 = tpu.memref_slice %arg6[%dma_start3A_61, %dma_start3A_74, %dma_start3A_75] : memref<6x512x32xf32, #tpu.memory_space<vmem>> -> memref<1x512x32xf32, #tpu.memory_space<vmem>>
    %dma_start3A_77 = tpu.memref_squeeze %dma_start3A_76 : memref<1x512x32xf32, #tpu.memory_space<vmem>> -> memref<512x32xf32, #tpu.memory_space<vmem>>
    tpu.enqueue_dma source(%dma_start3A_77 : memref<512x32xf32, #tpu.memory_space<vmem>>) target(%dma_start3A_73 : memref<512x32xf32, #tpu.memory_space<hbm>>) target_semaphore(%arg14 : memref<!tpu.dma_semaphore, #tpu.memory_space<semaphore_mem>>)
    %dma_start3A_78 = arith.constant 3 : i32
    %dma_start3A_79 = arith.constant 3 : i32
    %dma_start3A_80 = arith.constant 0 : i32
    %dma_start3A_81 = arith.constant 0 : i32
    %dma_start3A_82 = tpu.memref_slice %arg6[%dma_start3A_79, %dma_start3A_80, %dma_start3A_81] : memref<6x512x32xf32, #tpu.memory_space<vmem>> -> memref<1x512x32xf32, #tpu.memory_space<vmem>>
    %dma_start3A_83 = tpu.memref_squeeze %dma_start3A_82 : memref<1x512x32xf32, #tpu.memory_space<vmem>> -> memref<512x32xf32, #tpu.memory_space<vmem>>
    %dma_start3A_84 = arith.constant 0 : i32
    %dma_start3A_85 = tpu.memref_slice %arg5[%dma_start3A_78, %dma_start3A_84] : memref<50x512xi32, #tpu.memory_space<vmem>> -> memref<1x512xi32, #tpu.memory_space<vmem>>
    %dma_start3A_86 = tpu.memref_squeeze %dma_start3A_85 : memref<1x512xi32, #tpu.memory_space<vmem>> -> memref<512xi32, #tpu.memory_space<vmem>>
    %dma_start3A_87 = arith.constant 0 : i32
    %dma_start3A_88 = arith.constant 0 : i32
    %dma_start3A_89 = tpu.memref_slice %arg3[%dma_start3A_87, %dma_start3A_88] : memref<1000000x32xf32, #tpu.memory_space<hbm>> -> memref<1000000x32xf32, #tpu.memory_space<hbm>>
    tpu.enqueue_indirect_dma source(%dma_start3A_89 : memref<1000000x32xf32, #tpu.memory_space<hbm>>) target(%dma_start3A_83 : memref<512x32xf32, #tpu.memory_space<vmem>>) offsets(%dma_start3A_86 : memref<512xi32, #tpu.memory_space<vmem>>) semaphore(%arg11 : memref<!tpu.dma_semaphore, #tpu.memory_space<semaphore_mem>>)
    %dma_wait3A_90 = arith.constant 0 : i32
    %dma_wait3A_91 = arith.constant 1 : i32
    %dma_wait3A_92 = arith.constant 0 : i32
    %dma_wait3A_93 = arith.constant 0 : i32
    %dma_wait3A_94 = tpu.memref_slice %arg6[%dma_wait3A_91, %dma_wait3A_92, %dma_wait3A_93] : memref<6x512x32xf32, #tpu.memory_space<vmem>> -> memref<1x512x32xf32, #tpu.memory_space<vmem>>
    %dma_wait3A_95 = tpu.memref_squeeze %dma_wait3A_94 : memref<1x512x32xf32, #tpu.memory_space<vmem>> -> memref<512x32xf32, #tpu.memory_space<vmem>>
    %dma_wait3A_96 = arith.constant 0 : i32
    %dma_wait3A_97 = tpu.memref_slice %arg5[%dma_wait3A_90, %dma_wait3A_96] : memref<50x512xi32, #tpu.memory_space<vmem>> -> memref<1x512xi32, #tpu.memory_space<vmem>>
    %dma_wait3A_98 = tpu.memref_squeeze %dma_wait3A_97 : memref<1x512xi32, #tpu.memory_space<vmem>> -> memref<512xi32, #tpu.memory_space<vmem>>
    %dma_wait3A_99 = arith.constant 0 : i32
    %dma_wait3A_100 = arith.constant 0 : i32
    %dma_wait3A_101 = tpu.memref_slice %arg3[%dma_wait3A_99, %dma_wait3A_100] : memref<1000000x32xf32, #tpu.memory_space<hbm>> -> memref<1000000x32xf32, #tpu.memory_space<hbm>>
    tpu.wait_indirect_dma semaphore(%arg9 : memref<!tpu.dma_semaphore, #tpu.memory_space<semaphore_mem>>) src(%dma_wait3A_101 : memref<1000000x32xf32, #tpu.memory_space<hbm>>) dst(%dma_wait3A_95 : memref<512x32xf32, #tpu.memory_space<vmem>>)
    %add3A_102 = arith.constant 1 : i32
    %add3A_103 = arith.addi %mul3A_2, %add3A_102 : i32
    %dma_start3A_104 = arith.constant 1 : i32
    %dma_start3A_105 = arith.constant 0 : i32
    %dma_start3A_106 = arith.constant 0 : i32
    %dma_start3A_107 = tpu.memref_slice %arg6[%dma_start3A_104, %dma_start3A_105, %dma_start3A_106] : memref<6x512x32xf32, #tpu.memory_space<vmem>> -> memref<1x512x32xf32, #tpu.memory_space<vmem>>
    %dma_start3A_108 = tpu.memref_squeeze %dma_start3A_107 : memref<1x512x32xf32, #tpu.memory_space<vmem>> -> memref<512x32xf32, #tpu.memory_space<vmem>>
    %dma_start3A_109 = arith.constant 0 : i32
    %dma_start3A_110 = arith.constant 0 : i32
    %dma_start3A_111 = tpu.memref_slice %arg4[%add3A_103, %dma_start3A_109, %dma_start3A_110] : memref<1600x512x32xf32, #tpu.memory_space<hbm>> -> memref<1x512x32xf32, #tpu.memory_space<hbm>>
    %dma_start3A_112 = tpu.memref_squeeze %dma_start3A_111 : memref<1x512x32xf32, #tpu.memory_space<hbm>> -> memref<512x32xf32, #tpu.memory_space<hbm>>
    %dma_start3A_113 = arith.constant 0 : i32
    %dma_start3A_114 = arith.constant 0 : i32
    %dma_start3A_115 = tpu.memref_slice %arg4[%add3A_103, %dma_start3A_113, %dma_start3A_114] : memref<1600x512x32xf32, #tpu.memory_space<hbm>> -> memref<1x512x32xf32, #tpu.memory_space<hbm>>
    %dma_start3A_116 = tpu.memref_squeeze %dma_start3A_115 : memref<1x512x32xf32, #tpu.memory_space<hbm>> -> memref<512x32xf32, #tpu.memory_space<hbm>>
    %dma_start3A_117 = arith.constant 0 : i32
    %dma_start3A_118 = arith.constant 0 : i32
    %dma_start3A_119 = tpu.memref_slice %arg6[%dma_start3A_104, %dma_start3A_117, %dma_start3A_118] : memref<6x512x32xf32, #tpu.memory_space<vmem>> -> memref<1x512x32xf32, #tpu.memory_space<vmem>>
    %dma_start3A_120 = tpu.memref_squeeze %dma_start3A_119 : memref<1x512x32xf32, #tpu.memory_space<vmem>> -> memref<512x32xf32, #tpu.memory_space<vmem>>
    tpu.enqueue_dma source(%dma_start3A_120 : memref<512x32xf32, #tpu.memory_space<vmem>>) target(%dma_start3A_116 : memref<512x32xf32, #tpu.memory_space<hbm>>) target_semaphore(%arg15 : memref<!tpu.dma_semaphore, #tpu.memory_space<semaphore_mem>>)
    %dma_start3A_121 = arith.constant 4 : i32
    %dma_start3A_122 = arith.constant 4 : i32
    %dma_start3A_123 = arith.constant 0 : i32
    %dma_start3A_124 = arith.constant 0 : i32
    %dma_start3A_125 = tpu.memref_slice %arg6[%dma_start3A_122, %dma_start3A_123, %dma_start3A_124] : memref<6x512x32xf32, #tpu.memory_space<vmem>> -> memref<1x512x32xf32, #tpu.memory_space<vmem>>
    %dma_start3A_126 = tpu.memref_squeeze %dma_start3A_125 : memref<1x512x32xf32, #tpu.memory_space<vmem>> -> memref<512x32xf32, #tpu.memory_space<vmem>>
    %dma_start3A_127 = arith.constant 0 : i32
    %dma_start3A_128 = tpu.memref_slice %arg5[%dma_start3A_121, %dma_start3A_127] : memref<50x512xi32, #tpu.memory_space<vmem>> -> memref<1x512xi32, #tpu.memory_space<vmem>>
    %dma_start3A_129 = tpu.memref_squeeze %dma_start3A_128 : memref<1x512xi32, #tpu.memory_space<vmem>> -> memref<512xi32, #tpu.memory_space<vmem>>
    %dma_start3A_130 = arith.constant 0 : i32
    %dma_start3A_131 = arith.constant 0 : i32
    %dma_start3A_132 = tpu.memref_slice %arg3[%dma_start3A_130, %dma_start3A_131] : memref<1000000x32xf32, #tpu.memory_space<hbm>> -> memref<1000000x32xf32, #tpu.memory_space<hbm>>
    tpu.enqueue_indirect_dma source(%dma_start3A_132 : memref<1000000x32xf32, #tpu.memory_space<hbm>>) target(%dma_start3A_126 : memref<512x32xf32, #tpu.memory_space<vmem>>) offsets(%dma_start3A_129 : memref<512xi32, #tpu.memory_space<vmem>>) semaphore(%arg12 : memref<!tpu.dma_semaphore, #tpu.memory_space<semaphore_mem>>)
    %dma_wait3A_133 = arith.constant 0 : i32
    %dma_wait3A_134 = arith.constant 2 : i32
    %dma_wait3A_135 = arith.constant 0 : i32
    %dma_wait3A_136 = arith.constant 0 : i32
    %dma_wait3A_137 = tpu.memref_slice %arg6[%dma_wait3A_134, %dma_wait3A_135, %dma_wait3A_136] : memref<6x512x32xf32, #tpu.memory_space<vmem>> -> memref<1x512x32xf32, #tpu.memory_space<vmem>>
    %dma_wait3A_138 = tpu.memref_squeeze %dma_wait3A_137 : memref<1x512x32xf32, #tpu.memory_space<vmem>> -> memref<512x32xf32, #tpu.memory_space<vmem>>
    %dma_wait3A_139 = arith.constant 0 : i32
    %dma_wait3A_140 = tpu.memref_slice %arg5[%dma_wait3A_133, %dma_wait3A_139] : memref<50x512xi32, #tpu.memory_space<vmem>> -> memref<1x512xi32, #tpu.memory_space<vmem>>
    %dma_wait3A_141 = tpu.memref_squeeze %dma_wait3A_140 : memref<1x512xi32, #tpu.memory_space<vmem>> -> memref<512xi32, #tpu.memory_space<vmem>>
    %dma_wait3A_142 = arith.constant 0 : i32
    %dma_wait3A_143 = arith.constant 0 : i32
    %dma_wait3A_144 = tpu.memref_slice %arg3[%dma_wait3A_142, %dma_wait3A_143] : memref<1000000x32xf32, #tpu.memory_space<hbm>> -> memref<1000000x32xf32, #tpu.memory_space<hbm>>
    tpu.wait_indirect_dma semaphore(%arg10 : memref<!tpu.dma_semaphore, #tpu.memory_space<semaphore_mem>>) src(%dma_wait3A_144 : memref<1000000x32xf32, #tpu.memory_space<hbm>>) dst(%dma_wait3A_138 : memref<512x32xf32, #tpu.memory_space<vmem>>)
    %add3A_145 = arith.constant 2 : i32
    %add3A_146 = arith.addi %mul3A_2, %add3A_145 : i32
    %dma_start3A_147 = arith.constant 2 : i32
    %dma_start3A_148 = arith.constant 0 : i32
    %dma_start3A_149 = arith.constant 0 : i32
    %dma_start3A_150 = tpu.memref_slice %arg6[%dma_start3A_147, %dma_start3A_148, %dma_start3A_149] : memref<6x512x32xf32, #tpu.memory_space<vmem>> -> memref<1x512x32xf32, #tpu.memory_space<vmem>>
    %dma_start3A_151 = tpu.memref_squeeze %dma_start3A_150 : memref<1x512x32xf32, #tpu.memory_space<vmem>> -> memref<512x32xf32, #tpu.memory_space<vmem>>
    %dma_start3A_152 = arith.constant 0 : i32
    %dma_start3A_153 = arith.constant 0 : i32
    %dma_start3A_154 = tpu.memref_slice %arg4[%add3A_146, %dma_start3A_152, %dma_start3A_153] : memref<1600x512x32xf32, #tpu.memory_space<hbm>> -> memref<1x512x32xf32, #tpu.memory_space<hbm>>
    %dma_start3A_155 = tpu.memref_squeeze %dma_start3A_154 : memref<1x512x32xf32, #tpu.memory_space<hbm>> -> memref<512x32xf32, #tpu.memory_space<hbm>>
    %dma_start3A_156 = arith.constant 0 : i32
    %dma_start3A_157 = arith.constant 0 : i32
    %dma_start3A_158 = tpu.memref_slice %arg4[%add3A_146, %dma_start3A_156, %dma_start3A_157] : memref<1600x512x32xf32, #tpu.memory_space<hbm>> -> memref<1x512x32xf32, #tpu.memory_space<hbm>>
    %dma_start3A_159 = tpu.memref_squeeze %dma_start3A_158 : memref<1x512x32xf32, #tpu.memory_space<hbm>> -> memref<512x32xf32, #tpu.memory_space<hbm>>
    %dma_start3A_160 = arith.constant 0 : i32
    %dma_start3A_161 = arith.constant 0 : i32
    %dma_start3A_162 = tpu.memref_slice %arg6[%dma_start3A_147, %dma_start3A_160, %dma_start3A_161] : memref<6x512x32xf32, #tpu.memory_space<vmem>> -> memref<1x512x32xf32, #tpu.memory_space<vmem>>
    %dma_start3A_163 = tpu.memref_squeeze %dma_start3A_162 : memref<1x512x32xf32, #tpu.memory_space<vmem>> -> memref<512x32xf32, #tpu.memory_space<vmem>>
    tpu.enqueue_dma source(%dma_start3A_163 : memref<512x32xf32, #tpu.memory_space<vmem>>) target(%dma_start3A_159 : memref<512x32xf32, #tpu.memory_space<hbm>>) target_semaphore(%arg16 : memref<!tpu.dma_semaphore, #tpu.memory_space<semaphore_mem>>)
    %dma_start3A_164 = arith.constant 5 : i32
    %dma_start3A_165 = arith.constant 5 : i32
    %dma_start3A_166 = arith.constant 0 : i32
    %dma_start3A_167 = arith.constant 0 : i32
    %dma_start3A_168 = tpu.memref_slice %arg6[%dma_start3A_165, %dma_start3A_166, %dma_start3A_167] : memref<6x512x32xf32, #tpu.memory_space<vmem>> -> memref<1x512x32xf32, #tpu.memory_space<vmem>>
    %dma_start3A_169 = tpu.memref_squeeze %dma_start3A_168 : memref<1x512x32xf32, #tpu.memory_space<vmem>> -> memref<512x32xf32, #tpu.memory_space<vmem>>
    %dma_start3A_170 = arith.constant 0 : i32
    %dma_start3A_171 = tpu.memref_slice %arg5[%dma_start3A_164, %dma_start3A_170] : memref<50x512xi32, #tpu.memory_space<vmem>> -> memref<1x512xi32, #tpu.memory_space<vmem>>
    %dma_start3A_172 = tpu.memref_squeeze %dma_start3A_171 : memref<1x512xi32, #tpu.memory_space<vmem>> -> memref<512xi32, #tpu.memory_space<vmem>>
    %dma_start3A_173 = arith.constant 0 : i32
    %dma_start3A_174 = arith.constant 0 : i32
    %dma_start3A_175 = tpu.memref_slice %arg3[%dma_start3A_173, %dma_start3A_174] : memref<1000000x32xf32, #tpu.memory_space<hbm>> -> memref<1000000x32xf32, #tpu.memory_space<hbm>>
    tpu.enqueue_indirect_dma source(%dma_start3A_175 : memref<1000000x32xf32, #tpu.memory_space<hbm>>) target(%dma_start3A_169 : memref<512x32xf32, #tpu.memory_space<vmem>>) offsets(%dma_start3A_172 : memref<512xi32, #tpu.memory_space<vmem>>) semaphore(%arg13 : memref<!tpu.dma_semaphore, #tpu.memory_space<semaphore_mem>>)
    %dma_wait3A_176 = arith.constant 0 : i32
    %dma_wait3A_177 = arith.constant 3 : i32
    %dma_wait3A_178 = arith.constant 0 : i32
    %dma_wait3A_179 = arith.constant 0 : i32
    %dma_wait3A_180 = tpu.memref_slice %arg6[%dma_wait3A_177, %dma_wait3A_178, %dma_wait3A_179] : memref<6x512x32xf32, #tpu.memory_space<vmem>> -> memref<1x512x32xf32, #tpu.memory_space<vmem>>
    %dma_wait3A_181 = tpu.memref_squeeze %dma_wait3A_180 : memref<1x512x32xf32, #tpu.memory_space<vmem>> -> memref<512x32xf32, #tpu.memory_space<vmem>>
    %dma_wait3A_182 = arith.constant 0 : i32
    %dma_wait3A_183 = tpu.memref_slice %arg5[%dma_wait3A_176, %dma_wait3A_182] : memref<50x512xi32, #tpu.memory_space<vmem>> -> memref<1x512xi32, #tpu.memory_space<vmem>>
    %dma_wait3A_184 = tpu.memref_squeeze %dma_wait3A_183 : memref<1x512xi32, #tpu.memory_space<vmem>> -> memref<512xi32, #tpu.memory_space<vmem>>
    %dma_wait3A_185 = arith.constant 0 : i32
    %dma_wait3A_186 = arith.constant 0 : i32
    %dma_wait3A_187 = tpu.memref_slice %arg3[%dma_wait3A_185, %dma_wait3A_186] : memref<1000000x32xf32, #tpu.memory_space<hbm>> -> memref<1000000x32xf32, #tpu.memory_space<hbm>>
    tpu.wait_indirect_dma semaphore(%arg11 : memref<!tpu.dma_semaphore, #tpu.memory_space<semaphore_mem>>) src(%dma_wait3A_187 : memref<1000000x32xf32, #tpu.memory_space<hbm>>) dst(%dma_wait3A_181 : memref<512x32xf32, #tpu.memory_space<vmem>>)
    %add3A_188 = arith.constant 3 : i32
    %add3A_189 = arith.addi %mul3A_2, %add3A_188 : i32
    %dma_start3A_190 = arith.constant 3 : i32
    %dma_start3A_191 = arith.constant 0 : i32
    %dma_start3A_192 = arith.constant 0 : i32
    %dma_start3A_193 = tpu.memref_slice %arg6[%dma_start3A_190, %dma_start3A_191, %dma_start3A_192] : memref<6x512x32xf32, #tpu.memory_space<vmem>> -> memref<1x512x32xf32, #tpu.memory_space<vmem>>
    %dma_start3A_194 = tpu.memref_squeeze %dma_start3A_193 : memref<1x512x32xf32, #tpu.memory_space<vmem>> -> memref<512x32xf32, #tpu.memory_space<vmem>>
    %dma_start3A_195 = arith.constant 0 : i32
    %dma_start3A_196 = arith.constant 0 : i32
    %dma_start3A_197 = tpu.memref_slice %arg4[%add3A_189, %dma_start3A_195, %dma_start3A_196] : memref<1600x512x32xf32, #tpu.memory_space<hbm>> -> memref<1x512x32xf32, #tpu.memory_space<hbm>>
    %dma_start3A_198 = tpu.memref_squeeze %dma_start3A_197 : memref<1x512x32xf32, #tpu.memory_space<hbm>> -> memref<512x32xf32, #tpu.memory_space<hbm>>
    %dma_start3A_199 = arith.constant 0 : i32
    %dma_start3A_200 = arith.constant 0 : i32
    %dma_start3A_201 = tpu.memref_slice %arg4[%add3A_189, %dma_start3A_199, %dma_start3A_200] : memref<1600x512x32xf32, #tpu.memory_space<hbm>> -> memref<1x512x32xf32, #tpu.memory_space<hbm>>
    %dma_start3A_202 = tpu.memref_squeeze %dma_start3A_201 : memref<1x512x32xf32, #tpu.memory_space<hbm>> -> memref<512x32xf32, #tpu.memory_space<hbm>>
    %dma_start3A_203 = arith.constant 0 : i32
    %dma_start3A_204 = arith.constant 0 : i32
    %dma_start3A_205 = tpu.memref_slice %arg6[%dma_start3A_190, %dma_start3A_203, %dma_start3A_204] : memref<6x512x32xf32, #tpu.memory_space<vmem>> -> memref<1x512x32xf32, #tpu.memory_space<vmem>>
    %dma_start3A_206 = tpu.memref_squeeze %dma_start3A_205 : memref<1x512x32xf32, #tpu.memory_space<vmem>> -> memref<512x32xf32, #tpu.memory_space<vmem>>
    tpu.enqueue_dma source(%dma_start3A_206 : memref<512x32xf32, #tpu.memory_space<vmem>>) target(%dma_start3A_202 : memref<512x32xf32, #tpu.memory_space<hbm>>) target_semaphore(%arg17 : memref<!tpu.dma_semaphore, #tpu.memory_space<semaphore_mem>>)
    %dma_wait3A_207 = arith.constant 0 : i32
    %dma_wait3A_208 = arith.constant 0 : i32
    %dma_wait3A_209 = arith.constant 0 : i32
    %dma_wait3A_210 = arith.constant 0 : i32
    %dma_wait3A_211 = tpu.memref_slice %arg6[%dma_wait3A_207, %dma_wait3A_209, %dma_wait3A_210] : memref<6x512x32xf32, #tpu.memory_space<vmem>> -> memref<1x512x32xf32, #tpu.memory_space<vmem>>
    %dma_wait3A_212 = tpu.memref_squeeze %dma_wait3A_211 : memref<1x512x32xf32, #tpu.memory_space<vmem>> -> memref<512x32xf32, #tpu.memory_space<vmem>>
    %dma_wait3A_213 = arith.constant 0 : i32
    %dma_wait3A_214 = arith.constant 0 : i32
    %dma_wait3A_215 = tpu.memref_slice %arg4[%dma_wait3A_208, %dma_wait3A_213, %dma_wait3A_214] : memref<1600x512x32xf32, #tpu.memory_space<hbm>> -> memref<1x512x32xf32, #tpu.memory_space<hbm>>
    %dma_wait3A_216 = tpu.memref_squeeze %dma_wait3A_215 : memref<1x512x32xf32, #tpu.memory_space<hbm>> -> memref<512x32xf32, #tpu.memory_space<hbm>>
    %dma_wait3A_217 = arith.constant 0 : i32
    %dma_wait3A_218 = arith.constant 0 : i32
    %dma_wait3A_219 = tpu.memref_slice %arg4[%dma_wait3A_208, %dma_wait3A_217, %dma_wait3A_218] : memref<1600x512x32xf32, #tpu.memory_space<hbm>> -> memref<1x512x32xf32, #tpu.memory_space<hbm>>
    %dma_wait3A_220 = tpu.memref_squeeze %dma_wait3A_219 : memref<1x512x32xf32, #tpu.memory_space<hbm>> -> memref<512x32xf32, #tpu.memory_space<hbm>>
    %dma_wait3A_221 = arith.constant 0 : i32
    %dma_wait3A_222 = arith.constant 0 : i32
    %dma_wait3A_223 = tpu.memref_slice %arg6[%dma_wait3A_207, %dma_wait3A_221, %dma_wait3A_222] : memref<6x512x32xf32, #tpu.memory_space<vmem>> -> memref<1x512x32xf32, #tpu.memory_space<vmem>>
    %dma_wait3A_224 = tpu.memref_squeeze %dma_wait3A_223 : memref<1x512x32xf32, #tpu.memory_space<vmem>> -> memref<512x32xf32, #tpu.memory_space<vmem>>
    tpu.wait_dma2 semaphore(%arg14 : memref<!tpu.dma_semaphore, #tpu.memory_space<semaphore_mem>>) src(%dma_wait3A_224 : memref<512x32xf32, #tpu.memory_space<vmem>>) dst(%dma_wait3A_220 : memref<512x32xf32, #tpu.memory_space<hbm>>)
    %dma_start3A_225 = arith.constant 6 : i32
    %dma_start3A_226 = arith.constant 0 : i32
    %dma_start3A_227 = arith.constant 0 : i32
    %dma_start3A_228 = arith.constant 0 : i32
    %dma_start3A_229 = tpu.memref_slice %arg6[%dma_start3A_226, %dma_start3A_227, %dma_start3A_228] : memref<6x512x32xf32, #tpu.memory_space<vmem>> -> memref<1x512x32xf32, #tpu.memory_space<vmem>>
    %dma_start3A_230 = tpu.memref_squeeze %dma_start3A_229 : memref<1x512x32xf32, #tpu.memory_space<vmem>> -> memref<512x32xf32, #tpu.memory_space<vmem>>
    %dma_start3A_231 = arith.constant 0 : i32
    %dma_start3A_232 = tpu.memref_slice %arg5[%dma_start3A_225, %dma_start3A_231] : memref<50x512xi32, #tpu.memory_space<vmem>> -> memref<1x512xi32, #tpu.memory_space<vmem>>
    %dma_start3A_233 = tpu.memref_squeeze %dma_start3A_232 : memref<1x512xi32, #tpu.memory_space<vmem>> -> memref<512xi32, #tpu.memory_space<vmem>>
    %dma_start3A_234 = arith.constant 0 : i32
    %dma_start3A_235 = arith.constant 0 : i32
    %dma_start3A_236 = tpu.memref_slice %arg3[%dma_start3A_234, %dma_start3A_235] : memref<1000000x32xf32, #tpu.memory_space<hbm>> -> memref<1000000x32xf32, #tpu.memory_space<hbm>>
    tpu.enqueue_indirect_dma source(%dma_start3A_236 : memref<1000000x32xf32, #tpu.memory_space<hbm>>) target(%dma_start3A_230 : memref<512x32xf32, #tpu.memory_space<vmem>>) offsets(%dma_start3A_233 : memref<512xi32, #tpu.memory_space<vmem>>) semaphore(%arg8 : memref<!tpu.dma_semaphore, #tpu.memory_space<semaphore_mem>>)
    %dma_wait3A_237 = arith.constant 0 : i32
    %dma_wait3A_238 = arith.constant 4 : i32
    %dma_wait3A_239 = arith.constant 0 : i32
    %dma_wait3A_240 = arith.constant 0 : i32
    %dma_wait3A_241 = tpu.memref_slice %arg6[%dma_wait3A_238, %dma_wait3A_239, %dma_wait3A_240] : memref<6x512x32xf32, #tpu.memory_space<vmem>> -> memref<1x512x32xf32, #tpu.memory_space<vmem>>
    %dma_wait3A_242 = tpu.memref_squeeze %dma_wait3A_241 : memref<1x512x32xf32, #tpu.memory_space<vmem>> -> memref<512x32xf32, #tpu.memory_space<vmem>>
    %dma_wait3A_243 = arith.constant 0 : i32
    %dma_wait3A_244 = tpu.memref_slice %arg5[%dma_wait3A_237, %dma_wait3A_243] : memref<50x512xi32, #tpu.memory_space<vmem>> -> memref<1x512xi32, #tpu.memory_space<vmem>>
    %dma_wait3A_245 = tpu.memref_squeeze %dma_wait3A_244 : memref<1x512xi32, #tpu.memory_space<vmem>> -> memref<512xi32, #tpu.memory_space<vmem>>
    %dma_wait3A_246 = arith.constant 0 : i32
    %dma_wait3A_247 = arith.constant 0 : i32
    %dma_wait3A_248 = tpu.memref_slice %arg3[%dma_wait3A_246, %dma_wait3A_247] : memref<1000000x32xf32, #tpu.memory_space<hbm>> -> memref<1000000x32xf32, #tpu.memory_space<hbm>>
    tpu.wait_indirect_dma semaphore(%arg12 : memref<!tpu.dma_semaphore, #tpu.memory_space<semaphore_mem>>) src(%dma_wait3A_248 : memref<1000000x32xf32, #tpu.memory_space<hbm>>) dst(%dma_wait3A_242 : memref<512x32xf32, #tpu.memory_space<vmem>>)
    %add3A_249 = arith.constant 4 : i32
    %add3A_250 = arith.addi %mul3A_2, %add3A_249 : i32
    %dma_start3A_251 = arith.constant 4 : i32
    %dma_start3A_252 = arith.constant 0 : i32
    %dma_start3A_253 = arith.constant 0 : i32
    %dma_start3A_254 = tpu.memref_slice %arg6[%dma_start3A_251, %dma_start3A_252, %dma_start3A_253] : memref<6x512x32xf32, #tpu.memory_space<vmem>> -> memref<1x512x32xf32, #tpu.memory_space<vmem>>
    %dma_start3A_255 = tpu.memref_squeeze %dma_start3A_254 : memref<1x512x32xf32, #tpu.memory_space<vmem>> -> memref<512x32xf32, #tpu.memory_space<vmem>>
    %dma_start3A_256 = arith.constant 0 : i32
    %dma_start3A_257 = arith.constant 0 : i32
    %dma_start3A_258 = tpu.memref_slice %arg4[%add3A_250, %dma_start3A_256, %dma_start3A_257] : memref<1600x512x32xf32, #tpu.memory_space<hbm>> -> memref<1x512x32xf32, #tpu.memory_space<hbm>>
    %dma_start3A_259 = tpu.memref_squeeze %dma_start3A_258 : memref<1x512x32xf32, #tpu.memory_space<hbm>> -> memref<512x32xf32, #tpu.memory_space<hbm>>
    %dma_start3A_260 = arith.constant 0 : i32
    %dma_start3A_261 = arith.constant 0 : i32
    %dma_start3A_262 = tpu.memref_slice %arg4[%add3A_250, %dma_start3A_260, %dma_start3A_261] : memref<1600x512x32xf32, #tpu.memory_space<hbm>> -> memref<1x512x32xf32, #tpu.memory_space<hbm>>
    %dma_start3A_263 = tpu.memref_squeeze %dma_start3A_262 : memref<1x512x32xf32, #tpu.memory_space<hbm>> -> memref<512x32xf32, #tpu.memory_space<hbm>>
    %dma_start3A_264 = arith.constant 0 : i32
    %dma_start3A_265 = arith.constant 0 : i32
    %dma_start3A_266 = tpu.memref_slice %arg6[%dma_start3A_251, %dma_start3A_264, %dma_start3A_265] : memref<6x512x32xf32, #tpu.memory_space<vmem>> -> memref<1x512x32xf32, #tpu.memory_space<vmem>>
    %dma_start3A_267 = tpu.memref_squeeze %dma_start3A_266 : memref<1x512x32xf32, #tpu.memory_space<vmem>> -> memref<512x32xf32, #tpu.memory_space<vmem>>
    tpu.enqueue_dma source(%dma_start3A_267 : memref<512x32xf32, #tpu.memory_space<vmem>>) target(%dma_start3A_263 : memref<512x32xf32, #tpu.memory_space<hbm>>) target_semaphore(%arg18 : memref<!tpu.dma_semaphore, #tpu.memory_space<semaphore_mem>>)
    %dma_wait3A_268 = arith.constant 1 : i32
    %dma_wait3A_269 = arith.constant 0 : i32
    %dma_wait3A_270 = arith.constant 0 : i32
    %dma_wait3A_271 = arith.constant 0 : i32
    %dma_wait3A_272 = tpu.memref_slice %arg6[%dma_wait3A_268, %dma_wait3A_270, %dma_wait3A_271] : memref<6x512x32xf32, #tpu.memory_space<vmem>> -> memref<1x512x32xf32, #tpu.memory_space<vmem>>
    %dma_wait3A_273 = tpu.memref_squeeze %dma_wait3A_272 : memref<1x512x32xf32, #tpu.memory_space<vmem>> -> memref<512x32xf32, #tpu.memory_space<vmem>>
    %dma_wait3A_274 = arith.constant 0 : i32
    %dma_wait3A_275 = arith.constant 0 : i32
    %dma_wait3A_276 = tpu.memref_slice %arg4[%dma_wait3A_269, %dma_wait3A_274, %dma_wait3A_275] : memref<1600x512x32xf32, #tpu.memory_space<hbm>> -> memref<1x512x32xf32, #tpu.memory_space<hbm>>
    %dma_wait3A_277 = tpu.memref_squeeze %dma_wait3A_276 : memref<1x512x32xf32, #tpu.memory_space<hbm>> -> memref<512x32xf32, #tpu.memory_space<hbm>>
    %dma_wait3A_278 = arith.constant 0 : i32
    %dma_wait3A_279 = arith.constant 0 : i32
    %dma_wait3A_280 = tpu.memref_slice %arg4[%dma_wait3A_269, %dma_wait3A_278, %dma_wait3A_279] : memref<1600x512x32xf32, #tpu.memory_space<hbm>> -> memref<1x512x32xf32, #tpu.memory_space<hbm>>
    %dma_wait3A_281 = tpu.memref_squeeze %dma_wait3A_280 : memref<1x512x32xf32, #tpu.memory_space<hbm>> -> memref<512x32xf32, #tpu.memory_space<hbm>>
    %dma_wait3A_282 = arith.constant 0 : i32
    %dma_wait3A_283 = arith.constant 0 : i32
    %dma_wait3A_284 = tpu.memref_slice %arg6[%dma_wait3A_268, %dma_wait3A_282, %dma_wait3A_283] : memref<6x512x32xf32, #tpu.memory_space<vmem>> -> memref<1x512x32xf32, #tpu.memory_space<vmem>>
    %dma_wait3A_285 = tpu.memref_squeeze %dma_wait3A_284 : memref<1x512x32xf32, #tpu.memory_space<vmem>> -> memref<512x32xf32, #tpu.memory_space<vmem>>
    tpu.wait_dma2 semaphore(%arg15 : memref<!tpu.dma_semaphore, #tpu.memory_space<semaphore_mem>>) src(%dma_wait3A_285 : memref<512x32xf32, #tpu.memory_space<vmem>>) dst(%dma_wait3A_281 : memref<512x32xf32, #tpu.memory_space<hbm>>)
    %dma_start3A_286 = arith.constant 7 : i32
    %dma_start3A_287 = arith.constant 1 : i32
    %dma_start3A_288 = arith.constant 0 : i32
    %dma_start3A_289 = arith.constant 0 : i32
    %dma_start3A_290 = tpu.memref_slice %arg6[%dma_start3A_287, %dma_start3A_288, %dma_start3A_289] : memref<6x512x32xf32, #tpu.memory_space<vmem>> -> memref<1x512x32xf32, #tpu.memory_space<vmem>>
    %dma_start3A_291 = tpu.memref_squeeze %dma_start3A_290 : memref<1x512x32xf32, #tpu.memory_space<vmem>> -> memref<512x32xf32, #tpu.memory_space<vmem>>
    %dma_start3A_292 = arith.constant 0 : i32
    %dma_start3A_293 = tpu.memref_slice %arg5[%dma_start3A_286, %dma_start3A_292] : memref<50x512xi32, #tpu.memory_space<vmem>> -> memref<1x512xi32, #tpu.memory_space<vmem>>
    %dma_start3A_294 = tpu.memref_squeeze %dma_start3A_293 : memref<1x512xi32, #tpu.memory_space<vmem>> -> memref<512xi32, #tpu.memory_space<vmem>>
    %dma_start3A_295 = arith.constant 0 : i32
    %dma_start3A_296 = arith.constant 0 : i32
    %dma_start3A_297 = tpu.memref_slice %arg3[%dma_start3A_295, %dma_start3A_296] : memref<1000000x32xf32, #tpu.memory_space<hbm>> -> memref<1000000x32xf32, #tpu.memory_space<hbm>>
    tpu.enqueue_indirect_dma source(%dma_start3A_297 : memref<1000000x32xf32, #tpu.memory_space<hbm>>) target(%dma_start3A_291 : memref<512x32xf32, #tpu.memory_space<vmem>>) offsets(%dma_start3A_294 : memref<512xi32, #tpu.memory_space<vmem>>) semaphore(%arg9 : memref<!tpu.dma_semaphore, #tpu.memory_space<semaphore_mem>>)
    %dma_wait3A_298 = arith.constant 0 : i32
    %dma_wait3A_299 = arith.constant 5 : i32
    %dma_wait3A_300 = arith.constant 0 : i32
    %dma_wait3A_301 = arith.constant 0 : i32
    %dma_wait3A_302 = tpu.memref_slice %arg6[%dma_wait3A_299, %dma_wait3A_300, %dma_wait3A_301] : memref<6x512x32xf32, #tpu.memory_space<vmem>> -> memref<1x512x32xf32, #tpu.memory_space<vmem>>
    %dma_wait3A_303 = tpu.memref_squeeze %dma_wait3A_302 : memref<1x512x32xf32, #tpu.memory_space<vmem>> -> memref<512x32xf32, #tpu.memory_space<vmem>>
    %dma_wait3A_304 = arith.constant 0 : i32
    %dma_wait3A_305 = tpu.memref_slice %arg5[%dma_wait3A_298, %dma_wait3A_304] : memref<50x512xi32, #tpu.memory_space<vmem>> -> memref<1x512xi32, #tpu.memory_space<vmem>>
    %dma_wait3A_306 = tpu.memref_squeeze %dma_wait3A_305 : memref<1x512xi32, #tpu.memory_space<vmem>> -> memref<512xi32, #tpu.memory_space<vmem>>
    %dma_wait3A_307 = arith.constant 0 : i32
    %dma_wait3A_308 = arith.constant 0 : i32
    %dma_wait3A_309 = tpu.memref_slice %arg3[%dma_wait3A_307, %dma_wait3A_308] : memref<1000000x32xf32, #tpu.memory_space<hbm>> -> memref<1000000x32xf32, #tpu.memory_space<hbm>>
    tpu.wait_indirect_dma semaphore(%arg13 : memref<!tpu.dma_semaphore, #tpu.memory_space<semaphore_mem>>) src(%dma_wait3A_309 : memref<1000000x32xf32, #tpu.memory_space<hbm>>) dst(%dma_wait3A_303 : memref<512x32xf32, #tpu.memory_space<vmem>>)
    %add3A_310 = arith.constant 5 : i32
    %add3A_311 = arith.addi %mul3A_2, %add3A_310 : i32
    %dma_start3A_312 = arith.constant 5 : i32
    %dma_start3A_313 = arith.constant 0 : i32
    %dma_start3A_314 = arith.constant 0 : i32
    %dma_start3A_315 = tpu.memref_slice %arg6[%dma_start3A_312, %dma_start3A_313, %dma_start3A_314] : memref<6x512x32xf32, #tpu.memory_space<vmem>> -> memref<1x512x32xf32, #tpu.memory_space<vmem>>
    %dma_start3A_316 = tpu.memref_squeeze %dma_start3A_315 : memref<1x512x32xf32, #tpu.memory_space<vmem>> -> memref<512x32xf32, #tpu.memory_space<vmem>>
    %dma_start3A_317 = arith.constant 0 : i32
    %dma_start3A_318 = arith.constant 0 : i32
    %dma_start3A_319 = tpu.memref_slice %arg4[%add3A_311, %dma_start3A_317, %dma_start3A_318] : memref<1600x512x32xf32, #tpu.memory_space<hbm>> -> memref<1x512x32xf32, #tpu.memory_space<hbm>>
    %dma_start3A_320 = tpu.memref_squeeze %dma_start3A_319 : memref<1x512x32xf32, #tpu.memory_space<hbm>> -> memref<512x32xf32, #tpu.memory_space<hbm>>
    %dma_start3A_321 = arith.constant 0 : i32
    %dma_start3A_322 = arith.constant 0 : i32
    %dma_start3A_323 = tpu.memref_slice %arg4[%add3A_311, %dma_start3A_321, %dma_start3A_322] : memref<1600x512x32xf32, #tpu.memory_space<hbm>> -> memref<1x512x32xf32, #tpu.memory_space<hbm>>
    %dma_start3A_324 = tpu.memref_squeeze %dma_start3A_323 : memref<1x512x32xf32, #tpu.memory_space<hbm>> -> memref<512x32xf32, #tpu.memory_space<hbm>>
    %dma_start3A_325 = arith.constant 0 : i32
    %dma_start3A_326 = arith.constant 0 : i32
    %dma_start3A_327 = tpu.memref_slice %arg6[%dma_start3A_312, %dma_start3A_325, %dma_start3A_326] : memref<6x512x32xf32, #tpu.memory_space<vmem>> -> memref<1x512x32xf32, #tpu.memory_space<vmem>>
    %dma_start3A_328 = tpu.memref_squeeze %dma_start3A_327 : memref<1x512x32xf32, #tpu.memory_space<vmem>> -> memref<512x32xf32, #tpu.memory_space<vmem>>
    tpu.enqueue_dma source(%dma_start3A_328 : memref<512x32xf32, #tpu.memory_space<vmem>>) target(%dma_start3A_324 : memref<512x32xf32, #tpu.memory_space<hbm>>) target_semaphore(%arg19 : memref<!tpu.dma_semaphore, #tpu.memory_space<semaphore_mem>>)
    %dma_wait3A_329 = arith.constant 2 : i32
    %dma_wait3A_330 = arith.constant 0 : i32
    %dma_wait3A_331 = arith.constant 0 : i32
    %dma_wait3A_332 = arith.constant 0 : i32
    %dma_wait3A_333 = tpu.memref_slice %arg6[%dma_wait3A_329, %dma_wait3A_331, %dma_wait3A_332] : memref<6x512x32xf32, #tpu.memory_space<vmem>> -> memref<1x512x32xf32, #tpu.memory_space<vmem>>
    %dma_wait3A_334 = tpu.memref_squeeze %dma_wait3A_333 : memref<1x512x32xf32, #tpu.memory_space<vmem>> -> memref<512x32xf32, #tpu.memory_space<vmem>>
    %dma_wait3A_335 = arith.constant 0 : i32
    %dma_wait3A_336 = arith.constant 0 : i32
    %dma_wait3A_337 = tpu.memref_slice %arg4[%dma_wait3A_330, %dma_wait3A_335, %dma_wait3A_336] : memref<1600x512x32xf32, #tpu.memory_space<hbm>> -> memref<1x512x32xf32, #tpu.memory_space<hbm>>
    %dma_wait3A_338 = tpu.memref_squeeze %dma_wait3A_337 : memref<1x512x32xf32, #tpu.memory_space<hbm>> -> memref<512x32xf32, #tpu.memory_space<hbm>>
    %dma_wait3A_339 = arith.constant 0 : i32
    %dma_wait3A_340 = arith.constant 0 : i32
    %dma_wait3A_341 = tpu.memref_slice %arg4[%dma_wait3A_330, %dma_wait3A_339, %dma_wait3A_340] : memref<1600x512x32xf32, #tpu.memory_space<hbm>> -> memref<1x512x32xf32, #tpu.memory_space<hbm>>
    %dma_wait3A_342 = tpu.memref_squeeze %dma_wait3A_341 : memref<1x512x32xf32, #tpu.memory_space<hbm>> -> memref<512x32xf32, #tpu.memory_space<hbm>>
    %dma_wait3A_343 = arith.constant 0 : i32
    %dma_wait3A_344 = arith.constant 0 : i32
    %dma_wait3A_345 = tpu.memref_slice %arg6[%dma_wait3A_329, %dma_wait3A_343, %dma_wait3A_344] : memref<6x512x32xf32, #tpu.memory_space<vmem>> -> memref<1x512x32xf32, #tpu.memory_space<vmem>>
    %dma_wait3A_346 = tpu.memref_squeeze %dma_wait3A_345 : memref<1x512x32xf32, #tpu.memory_space<vmem>> -> memref<512x32xf32, #tpu.memory_space<vmem>>
    tpu.wait_dma2 semaphore(%arg16 : memref<!tpu.dma_semaphore, #tpu.memory_space<semaphore_mem>>) src(%dma_wait3A_346 : memref<512x32xf32, #tpu.memory_space<vmem>>) dst(%dma_wait3A_342 : memref<512x32xf32, #tpu.memory_space<hbm>>)
    %dma_start3A_347 = arith.constant 8 : i32
    %dma_start3A_348 = arith.constant 2 : i32
    %dma_start3A_349 = arith.constant 0 : i32
    %dma_start3A_350 = arith.constant 0 : i32
    %dma_start3A_351 = tpu.memref_slice %arg6[%dma_start3A_348, %dma_start3A_349, %dma_start3A_350] : memref<6x512x32xf32, #tpu.memory_space<vmem>> -> memref<1x512x32xf32, #tpu.memory_space<vmem>>
    %dma_start3A_352 = tpu.memref_squeeze %dma_start3A_351 : memref<1x512x32xf32, #tpu.memory_space<vmem>> -> memref<512x32xf32, #tpu.memory_space<vmem>>
    %dma_start3A_353 = arith.constant 0 : i32
    %dma_start3A_354 = tpu.memref_slice %arg5[%dma_start3A_347, %dma_start3A_353] : memref<50x512xi32, #tpu.memory_space<vmem>> -> memref<1x512xi32, #tpu.memory_space<vmem>>
    %dma_start3A_355 = tpu.memref_squeeze %dma_start3A_354 : memref<1x512xi32, #tpu.memory_space<vmem>> -> memref<512xi32, #tpu.memory_space<vmem>>
    %dma_start3A_356 = arith.constant 0 : i32
    %dma_start3A_357 = arith.constant 0 : i32
    %dma_start3A_358 = tpu.memref_slice %arg3[%dma_start3A_356, %dma_start3A_357] : memref<1000000x32xf32, #tpu.memory_space<hbm>> -> memref<1000000x32xf32, #tpu.memory_space<hbm>>
    tpu.enqueue_indirect_dma source(%dma_start3A_358 : memref<1000000x32xf32, #tpu.memory_space<hbm>>) target(%dma_start3A_352 : memref<512x32xf32, #tpu.memory_space<vmem>>) offsets(%dma_start3A_355 : memref<512xi32, #tpu.memory_space<vmem>>) semaphore(%arg10 : memref<!tpu.dma_semaphore, #tpu.memory_space<semaphore_mem>>)
    %scan3A = arith.constant 0 : i32
    %scan3A_359 = arith.constant 1 : i32
    %scan3A_360 = arith.constant 6 : i32
    %scan3A_361 = arith.addi %scan3A_359, %scan3A_360 : i32
    %scan3A_362 = arith.constant 1 : i32
    scf.for %scan3A_870 = %scan3A_359 to %scan3A_361 step %scan3A_362  : i32 {
      %mul3A_871 = arith.constant 6 : i32
      %mul3A_872 = arith.muli %mul3A_871, %scan3A_870 : i32
      %add3A_873 = arith.constant 0 : i32
      %add3A_874 = arith.addi %mul3A_872, %add3A_873 : i32
      %dma_wait3A_875 = arith.constant 0 : i32
      %dma_wait3A_876 = arith.constant 0 : i32
      %dma_wait3A_877 = arith.constant 0 : i32
      %dma_wait3A_878 = arith.constant 0 : i32
      %dma_wait3A_879 = tpu.memref_slice %arg6[%dma_wait3A_876, %dma_wait3A_877, %dma_wait3A_878] : memref<6x512x32xf32, #tpu.memory_space<vmem>> -> memref<1x512x32xf32, #tpu.memory_space<vmem>>
      %dma_wait3A_880 = tpu.memref_squeeze %dma_wait3A_879 : memref<1x512x32xf32, #tpu.memory_space<vmem>> -> memref<512x32xf32, #tpu.memory_space<vmem>>
      %dma_wait3A_881 = arith.constant 0 : i32
      %dma_wait3A_882 = tpu.memref_slice %arg5[%dma_wait3A_875, %dma_wait3A_881] : memref<50x512xi32, #tpu.memory_space<vmem>> -> memref<1x512xi32, #tpu.memory_space<vmem>>
      %dma_wait3A_883 = tpu.memref_squeeze %dma_wait3A_882 : memref<1x512xi32, #tpu.memory_space<vmem>> -> memref<512xi32, #tpu.memory_space<vmem>>
      %dma_wait3A_884 = arith.constant 0 : i32
      %dma_wait3A_885 = arith.constant 0 : i32
      %dma_wait3A_886 = tpu.memref_slice %arg3[%dma_wait3A_884, %dma_wait3A_885] : memref<1000000x32xf32, #tpu.memory_space<hbm>> -> memref<1000000x32xf32, #tpu.memory_space<hbm>>
      tpu.wait_indirect_dma semaphore(%arg8 : memref<!tpu.dma_semaphore, #tpu.memory_space<semaphore_mem>>) src(%dma_wait3A_886 : memref<1000000x32xf32, #tpu.memory_space<hbm>>) dst(%dma_wait3A_880 : memref<512x32xf32, #tpu.memory_space<vmem>>)
      %add3A_887 = arith.addi %mul3A_2, %add3A_874 : i32
      %dma_start3A_888 = arith.constant 0 : i32
      %dma_start3A_889 = arith.constant 0 : i32
      %dma_start3A_890 = arith.constant 0 : i32
      %dma_start3A_891 = tpu.memref_slice %arg6[%dma_start3A_888, %dma_start3A_889, %dma_start3A_890] : memref<6x512x32xf32, #tpu.memory_space<vmem>> -> memref<1x512x32xf32, #tpu.memory_space<vmem>>
      %dma_start3A_892 = tpu.memref_squeeze %dma_start3A_891 : memref<1x512x32xf32, #tpu.memory_space<vmem>> -> memref<512x32xf32, #tpu.memory_space<vmem>>
      %dma_start3A_893 = arith.constant 0 : i32
      %dma_start3A_894 = arith.constant 0 : i32
      %dma_start3A_895 = tpu.memref_slice %arg4[%add3A_887, %dma_start3A_893, %dma_start3A_894] : memref<1600x512x32xf32, #tpu.memory_space<hbm>> -> memref<1x512x32xf32, #tpu.memory_space<hbm>>
      %dma_start3A_896 = tpu.memref_squeeze %dma_start3A_895 : memref<1x512x32xf32, #tpu.memory_space<hbm>> -> memref<512x32xf32, #tpu.memory_space<hbm>>
      %dma_start3A_897 = arith.constant 0 : i32
      %dma_start3A_898 = arith.constant 0 : i32
      %dma_start3A_899 = tpu.memref_slice %arg4[%add3A_887, %dma_start3A_897, %dma_start3A_898] : memref<1600x512x32xf32, #tpu.memory_space<hbm>> -> memref<1x512x32xf32, #tpu.memory_space<hbm>>
      %dma_start3A_900 = tpu.memref_squeeze %dma_start3A_899 : memref<1x512x32xf32, #tpu.memory_space<hbm>> -> memref<512x32xf32, #tpu.memory_space<hbm>>
      %dma_start3A_901 = arith.constant 0 : i32
      %dma_start3A_902 = arith.constant 0 : i32
      %dma_start3A_903 = tpu.memref_slice %arg6[%dma_start3A_888, %dma_start3A_901, %dma_start3A_902] : memref<6x512x32xf32, #tpu.memory_space<vmem>> -> memref<1x512x32xf32, #tpu.memory_space<vmem>>
      %dma_start3A_904 = tpu.memref_squeeze %dma_start3A_903 : memref<1x512x32xf32, #tpu.memory_space<vmem>> -> memref<512x32xf32, #tpu.memory_space<vmem>>
      tpu.enqueue_dma source(%dma_start3A_904 : memref<512x32xf32, #tpu.memory_space<vmem>>) target(%dma_start3A_900 : memref<512x32xf32, #tpu.memory_space<hbm>>) target_semaphore(%arg14 : memref<!tpu.dma_semaphore, #tpu.memory_space<semaphore_mem>>)
      %dma_wait3A_905 = arith.constant 3 : i32
      %dma_wait3A_906 = arith.constant 0 : i32
      %dma_wait3A_907 = arith.constant 0 : i32
      %dma_wait3A_908 = arith.constant 0 : i32
      %dma_wait3A_909 = tpu.memref_slice %arg6[%dma_wait3A_905, %dma_wait3A_907, %dma_wait3A_908] : memref<6x512x32xf32, #tpu.memory_space<vmem>> -> memref<1x512x32xf32, #tpu.memory_space<vmem>>
      %dma_wait3A_910 = tpu.memref_squeeze %dma_wait3A_909 : memref<1x512x32xf32, #tpu.memory_space<vmem>> -> memref<512x32xf32, #tpu.memory_space<vmem>>
      %dma_wait3A_911 = arith.constant 0 : i32
      %dma_wait3A_912 = arith.constant 0 : i32
      %dma_wait3A_913 = tpu.memref_slice %arg4[%dma_wait3A_906, %dma_wait3A_911, %dma_wait3A_912] : memref<1600x512x32xf32, #tpu.memory_space<hbm>> -> memref<1x512x32xf32, #tpu.memory_space<hbm>>
      %dma_wait3A_914 = tpu.memref_squeeze %dma_wait3A_913 : memref<1x512x32xf32, #tpu.memory_space<hbm>> -> memref<512x32xf32, #tpu.memory_space<hbm>>
      %dma_wait3A_915 = arith.constant 0 : i32
      %dma_wait3A_916 = arith.constant 0 : i32
      %dma_wait3A_917 = tpu.memref_slice %arg4[%dma_wait3A_906, %dma_wait3A_915, %dma_wait3A_916] : memref<1600x512x32xf32, #tpu.memory_space<hbm>> -> memref<1x512x32xf32, #tpu.memory_space<hbm>>
      %dma_wait3A_918 = tpu.memref_squeeze %dma_wait3A_917 : memref<1x512x32xf32, #tpu.memory_space<hbm>> -> memref<512x32xf32, #tpu.memory_space<hbm>>
      %dma_wait3A_919 = arith.constant 0 : i32
      %dma_wait3A_920 = arith.constant 0 : i32
      %dma_wait3A_921 = tpu.memref_slice %arg6[%dma_wait3A_905, %dma_wait3A_919, %dma_wait3A_920] : memref<6x512x32xf32, #tpu.memory_space<vmem>> -> memref<1x512x32xf32, #tpu.memory_space<vmem>>
      %dma_wait3A_922 = tpu.memref_squeeze %dma_wait3A_921 : memref<1x512x32xf32, #tpu.memory_space<vmem>> -> memref<512x32xf32, #tpu.memory_space<vmem>>
      tpu.wait_dma2 semaphore(%arg17 : memref<!tpu.dma_semaphore, #tpu.memory_space<semaphore_mem>>) src(%dma_wait3A_922 : memref<512x32xf32, #tpu.memory_space<vmem>>) dst(%dma_wait3A_918 : memref<512x32xf32, #tpu.memory_space<hbm>>)
      %add3A_923 = arith.constant 3 : i32
      %add3A_924 = arith.addi %add3A_874, %add3A_923 : i32
      %dma_start3A_925 = arith.constant 3 : i32
      %dma_start3A_926 = arith.constant 0 : i32
      %dma_start3A_927 = arith.constant 0 : i32
      %dma_start3A_928 = tpu.memref_slice %arg6[%dma_start3A_925, %dma_start3A_926, %dma_start3A_927] : memref<6x512x32xf32, #tpu.memory_space<vmem>> -> memref<1x512x32xf32, #tpu.memory_space<vmem>>
      %dma_start3A_929 = tpu.memref_squeeze %dma_start3A_928 : memref<1x512x32xf32, #tpu.memory_space<vmem>> -> memref<512x32xf32, #tpu.memory_space<vmem>>
      %dma_start3A_930 = arith.constant 0 : i32
      %dma_start3A_931 = tpu.memref_slice %arg5[%add3A_924, %dma_start3A_930] : memref<50x512xi32, #tpu.memory_space<vmem>> -> memref<1x512xi32, #tpu.memory_space<vmem>>
      %dma_start3A_932 = tpu.memref_squeeze %dma_start3A_931 : memref<1x512xi32, #tpu.memory_space<vmem>> -> memref<512xi32, #tpu.memory_space<vmem>>
      %dma_start3A_933 = arith.constant 0 : i32
      %dma_start3A_934 = arith.constant 0 : i32
      %dma_start3A_935 = tpu.memref_slice %arg3[%dma_start3A_933, %dma_start3A_934] : memref<1000000x32xf32, #tpu.memory_space<hbm>> -> memref<1000000x32xf32, #tpu.memory_space<hbm>>
      tpu.enqueue_indirect_dma source(%dma_start3A_935 : memref<1000000x32xf32, #tpu.memory_space<hbm>>) target(%dma_start3A_929 : memref<512x32xf32, #tpu.memory_space<vmem>>) offsets(%dma_start3A_932 : memref<512xi32, #tpu.memory_space<vmem>>) semaphore(%arg11 : memref<!tpu.dma_semaphore, #tpu.memory_space<semaphore_mem>>)
      %mul3A_936 = arith.constant 6 : i32
      %mul3A_937 = arith.muli %mul3A_936, %scan3A_870 : i32
      %add3A_938 = arith.constant 1 : i32
      %add3A_939 = arith.addi %mul3A_937, %add3A_938 : i32
      %dma_wait3A_940 = arith.constant 0 : i32
      %dma_wait3A_941 = arith.constant 1 : i32
      %dma_wait3A_942 = arith.constant 0 : i32
      %dma_wait3A_943 = arith.constant 0 : i32
      %dma_wait3A_944 = tpu.memref_slice %arg6[%dma_wait3A_941, %dma_wait3A_942, %dma_wait3A_943] : memref<6x512x32xf32, #tpu.memory_space<vmem>> -> memref<1x512x32xf32, #tpu.memory_space<vmem>>
      %dma_wait3A_945 = tpu.memref_squeeze %dma_wait3A_944 : memref<1x512x32xf32, #tpu.memory_space<vmem>> -> memref<512x32xf32, #tpu.memory_space<vmem>>
      %dma_wait3A_946 = arith.constant 0 : i32
      %dma_wait3A_947 = tpu.memref_slice %arg5[%dma_wait3A_940, %dma_wait3A_946] : memref<50x512xi32, #tpu.memory_space<vmem>> -> memref<1x512xi32, #tpu.memory_space<vmem>>
      %dma_wait3A_948 = tpu.memref_squeeze %dma_wait3A_947 : memref<1x512xi32, #tpu.memory_space<vmem>> -> memref<512xi32, #tpu.memory_space<vmem>>
      %dma_wait3A_949 = arith.constant 0 : i32
      %dma_wait3A_950 = arith.constant 0 : i32
      %dma_wait3A_951 = tpu.memref_slice %arg3[%dma_wait3A_949, %dma_wait3A_950] : memref<1000000x32xf32, #tpu.memory_space<hbm>> -> memref<1000000x32xf32, #tpu.memory_space<hbm>>
      tpu.wait_indirect_dma semaphore(%arg9 : memref<!tpu.dma_semaphore, #tpu.memory_space<semaphore_mem>>) src(%dma_wait3A_951 : memref<1000000x32xf32, #tpu.memory_space<hbm>>) dst(%dma_wait3A_945 : memref<512x32xf32, #tpu.memory_space<vmem>>)
      %add3A_952 = arith.addi %mul3A_2, %add3A_939 : i32
      %dma_start3A_953 = arith.constant 1 : i32
      %dma_start3A_954 = arith.constant 0 : i32
      %dma_start3A_955 = arith.constant 0 : i32
      %dma_start3A_956 = tpu.memref_slice %arg6[%dma_start3A_953, %dma_start3A_954, %dma_start3A_955] : memref<6x512x32xf32, #tpu.memory_space<vmem>> -> memref<1x512x32xf32, #tpu.memory_space<vmem>>
      %dma_start3A_957 = tpu.memref_squeeze %dma_start3A_956 : memref<1x512x32xf32, #tpu.memory_space<vmem>> -> memref<512x32xf32, #tpu.memory_space<vmem>>
      %dma_start3A_958 = arith.constant 0 : i32
      %dma_start3A_959 = arith.constant 0 : i32
      %dma_start3A_960 = tpu.memref_slice %arg4[%add3A_952, %dma_start3A_958, %dma_start3A_959] : memref<1600x512x32xf32, #tpu.memory_space<hbm>> -> memref<1x512x32xf32, #tpu.memory_space<hbm>>
      %dma_start3A_961 = tpu.memref_squeeze %dma_start3A_960 : memref<1x512x32xf32, #tpu.memory_space<hbm>> -> memref<512x32xf32, #tpu.memory_space<hbm>>
      %dma_start3A_962 = arith.constant 0 : i32
      %dma_start3A_963 = arith.constant 0 : i32
      %dma_start3A_964 = tpu.memref_slice %arg4[%add3A_952, %dma_start3A_962, %dma_start3A_963] : memref<1600x512x32xf32, #tpu.memory_space<hbm>> -> memref<1x512x32xf32, #tpu.memory_space<hbm>>
      %dma_start3A_965 = tpu.memref_squeeze %dma_start3A_964 : memref<1x512x32xf32, #tpu.memory_space<hbm>> -> memref<512x32xf32, #tpu.memory_space<hbm>>
      %dma_start3A_966 = arith.constant 0 : i32
      %dma_start3A_967 = arith.constant 0 : i32
      %dma_start3A_968 = tpu.memref_slice %arg6[%dma_start3A_953, %dma_start3A_966, %dma_start3A_967] : memref<6x512x32xf32, #tpu.memory_space<vmem>> -> memref<1x512x32xf32, #tpu.memory_space<vmem>>
      %dma_start3A_969 = tpu.memref_squeeze %dma_start3A_968 : memref<1x512x32xf32, #tpu.memory_space<vmem>> -> memref<512x32xf32, #tpu.memory_space<vmem>>
      tpu.enqueue_dma source(%dma_start3A_969 : memref<512x32xf32, #tpu.memory_space<vmem>>) target(%dma_start3A_965 : memref<512x32xf32, #tpu.memory_space<hbm>>) target_semaphore(%arg15 : memref<!tpu.dma_semaphore, #tpu.memory_space<semaphore_mem>>)
      %dma_wait3A_970 = arith.constant 4 : i32
      %dma_wait3A_971 = arith.constant 0 : i32
      %dma_wait3A_972 = arith.constant 0 : i32
      %dma_wait3A_973 = arith.constant 0 : i32
      %dma_wait3A_974 = tpu.memref_slice %arg6[%dma_wait3A_970, %dma_wait3A_972, %dma_wait3A_973] : memref<6x512x32xf32, #tpu.memory_space<vmem>> -> memref<1x512x32xf32, #tpu.memory_space<vmem>>
      %dma_wait3A_975 = tpu.memref_squeeze %dma_wait3A_974 : memref<1x512x32xf32, #tpu.memory_space<vmem>> -> memref<512x32xf32, #tpu.memory_space<vmem>>
      %dma_wait3A_976 = arith.constant 0 : i32
      %dma_wait3A_977 = arith.constant 0 : i32
      %dma_wait3A_978 = tpu.memref_slice %arg4[%dma_wait3A_971, %dma_wait3A_976, %dma_wait3A_977] : memref<1600x512x32xf32, #tpu.memory_space<hbm>> -> memref<1x512x32xf32, #tpu.memory_space<hbm>>
      %dma_wait3A_979 = tpu.memref_squeeze %dma_wait3A_978 : memref<1x512x32xf32, #tpu.memory_space<hbm>> -> memref<512x32xf32, #tpu.memory_space<hbm>>
      %dma_wait3A_980 = arith.constant 0 : i32
      %dma_wait3A_981 = arith.constant 0 : i32
      %dma_wait3A_982 = tpu.memref_slice %arg4[%dma_wait3A_971, %dma_wait3A_980, %dma_wait3A_981] : memref<1600x512x32xf32, #tpu.memory_space<hbm>> -> memref<1x512x32xf32, #tpu.memory_space<hbm>>
      %dma_wait3A_983 = tpu.memref_squeeze %dma_wait3A_982 : memref<1x512x32xf32, #tpu.memory_space<hbm>> -> memref<512x32xf32, #tpu.memory_space<hbm>>
      %dma_wait3A_984 = arith.constant 0 : i32
      %dma_wait3A_985 = arith.constant 0 : i32
      %dma_wait3A_986 = tpu.memref_slice %arg6[%dma_wait3A_970, %dma_wait3A_984, %dma_wait3A_985] : memref<6x512x32xf32, #tpu.memory_space<vmem>> -> memref<1x512x32xf32, #tpu.memory_space<vmem>>
      %dma_wait3A_987 = tpu.memref_squeeze %dma_wait3A_986 : memref<1x512x32xf32, #tpu.memory_space<vmem>> -> memref<512x32xf32, #tpu.memory_space<vmem>>
      tpu.wait_dma2 semaphore(%arg18 : memref<!tpu.dma_semaphore, #tpu.memory_space<semaphore_mem>>) src(%dma_wait3A_987 : memref<512x32xf32, #tpu.memory_space<vmem>>) dst(%dma_wait3A_983 : memref<512x32xf32, #tpu.memory_space<hbm>>)
      %add3A_988 = arith.constant 3 : i32
      %add3A_989 = arith.addi %add3A_939, %add3A_988 : i32
      %dma_start3A_990 = arith.constant 4 : i32
      %dma_start3A_991 = arith.constant 0 : i32
      %dma_start3A_992 = arith.constant 0 : i32
      %dma_start3A_993 = tpu.memref_slice %arg6[%dma_start3A_990, %dma_start3A_991, %dma_start3A_992] : memref<6x512x32xf32, #tpu.memory_space<vmem>> -> memref<1x512x32xf32, #tpu.memory_space<vmem>>
      %dma_start3A_994 = tpu.memref_squeeze %dma_start3A_993 : memref<1x512x32xf32, #tpu.memory_space<vmem>> -> memref<512x32xf32, #tpu.memory_space<vmem>>
      %dma_start3A_995 = arith.constant 0 : i32
      %dma_start3A_996 = tpu.memref_slice %arg5[%add3A_989, %dma_start3A_995] : memref<50x512xi32, #tpu.memory_space<vmem>> -> memref<1x512xi32, #tpu.memory_space<vmem>>
      %dma_start3A_997 = tpu.memref_squeeze %dma_start3A_996 : memref<1x512xi32, #tpu.memory_space<vmem>> -> memref<512xi32, #tpu.memory_space<vmem>>
      %dma_start3A_998 = arith.constant 0 : i32
      %dma_start3A_999 = arith.constant 0 : i32
      %dma_start3A_1000 = tpu.memref_slice %arg3[%dma_start3A_998, %dma_start3A_999] : memref<1000000x32xf32, #tpu.memory_space<hbm>> -> memref<1000000x32xf32, #tpu.memory_space<hbm>>
      tpu.enqueue_indirect_dma source(%dma_start3A_1000 : memref<1000000x32xf32, #tpu.memory_space<hbm>>) target(%dma_start3A_994 : memref<512x32xf32, #tpu.memory_space<vmem>>) offsets(%dma_start3A_997 : memref<512xi32, #tpu.memory_space<vmem>>) semaphore(%arg12 : memref<!tpu.dma_semaphore, #tpu.memory_space<semaphore_mem>>)
      %mul3A_1001 = arith.constant 6 : i32
      %mul3A_1002 = arith.muli %mul3A_1001, %scan3A_870 : i32
      %add3A_1003 = arith.constant 2 : i32
      %add3A_1004 = arith.addi %mul3A_1002, %add3A_1003 : i32
      %dma_wait3A_1005 = arith.constant 0 : i32
      %dma_wait3A_1006 = arith.constant 2 : i32
      %dma_wait3A_1007 = arith.constant 0 : i32
      %dma_wait3A_1008 = arith.constant 0 : i32
      %dma_wait3A_1009 = tpu.memref_slice %arg6[%dma_wait3A_1006, %dma_wait3A_1007, %dma_wait3A_1008] : memref<6x512x32xf32, #tpu.memory_space<vmem>> -> memref<1x512x32xf32, #tpu.memory_space<vmem>>
      %dma_wait3A_1010 = tpu.memref_squeeze %dma_wait3A_1009 : memref<1x512x32xf32, #tpu.memory_space<vmem>> -> memref<512x32xf32, #tpu.memory_space<vmem>>
      %dma_wait3A_1011 = arith.constant 0 : i32
      %dma_wait3A_1012 = tpu.memref_slice %arg5[%dma_wait3A_1005, %dma_wait3A_1011] : memref<50x512xi32, #tpu.memory_space<vmem>> -> memref<1x512xi32, #tpu.memory_space<vmem>>
      %dma_wait3A_1013 = tpu.memref_squeeze %dma_wait3A_1012 : memref<1x512xi32, #tpu.memory_space<vmem>> -> memref<512xi32, #tpu.memory_space<vmem>>
      %dma_wait3A_1014 = arith.constant 0 : i32
      %dma_wait3A_1015 = arith.constant 0 : i32
      %dma_wait3A_1016 = tpu.memref_slice %arg3[%dma_wait3A_1014, %dma_wait3A_1015] : memref<1000000x32xf32, #tpu.memory_space<hbm>> -> memref<1000000x32xf32, #tpu.memory_space<hbm>>
      tpu.wait_indirect_dma semaphore(%arg10 : memref<!tpu.dma_semaphore, #tpu.memory_space<semaphore_mem>>) src(%dma_wait3A_1016 : memref<1000000x32xf32, #tpu.memory_space<hbm>>) dst(%dma_wait3A_1010 : memref<512x32xf32, #tpu.memory_space<vmem>>)
      %add3A_1017 = arith.addi %mul3A_2, %add3A_1004 : i32
      %dma_start3A_1018 = arith.constant 2 : i32
      %dma_start3A_1019 = arith.constant 0 : i32
      %dma_start3A_1020 = arith.constant 0 : i32
      %dma_start3A_1021 = tpu.memref_slice %arg6[%dma_start3A_1018, %dma_start3A_1019, %dma_start3A_1020] : memref<6x512x32xf32, #tpu.memory_space<vmem>> -> memref<1x512x32xf32, #tpu.memory_space<vmem>>
      %dma_start3A_1022 = tpu.memref_squeeze %dma_start3A_1021 : memref<1x512x32xf32, #tpu.memory_space<vmem>> -> memref<512x32xf32, #tpu.memory_space<vmem>>
      %dma_start3A_1023 = arith.constant 0 : i32
      %dma_start3A_1024 = arith.constant 0 : i32
      %dma_start3A_1025 = tpu.memref_slice %arg4[%add3A_1017, %dma_start3A_1023, %dma_start3A_1024] : memref<1600x512x32xf32, #tpu.memory_space<hbm>> -> memref<1x512x32xf32, #tpu.memory_space<hbm>>
      %dma_start3A_1026 = tpu.memref_squeeze %dma_start3A_1025 : memref<1x512x32xf32, #tpu.memory_space<hbm>> -> memref<512x32xf32, #tpu.memory_space<hbm>>
      %dma_start3A_1027 = arith.constant 0 : i32
      %dma_start3A_1028 = arith.constant 0 : i32
      %dma_start3A_1029 = tpu.memref_slice %arg4[%add3A_1017, %dma_start3A_1027, %dma_start3A_1028] : memref<1600x512x32xf32, #tpu.memory_space<hbm>> -> memref<1x512x32xf32, #tpu.memory_space<hbm>>
      %dma_start3A_1030 = tpu.memref_squeeze %dma_start3A_1029 : memref<1x512x32xf32, #tpu.memory_space<hbm>> -> memref<512x32xf32, #tpu.memory_space<hbm>>
      %dma_start3A_1031 = arith.constant 0 : i32
      %dma_start3A_1032 = arith.constant 0 : i32
      %dma_start3A_1033 = tpu.memref_slice %arg6[%dma_start3A_1018, %dma_start3A_1031, %dma_start3A_1032] : memref<6x512x32xf32, #tpu.memory_space<vmem>> -> memref<1x512x32xf32, #tpu.memory_space<vmem>>
      %dma_start3A_1034 = tpu.memref_squeeze %dma_start3A_1033 : memref<1x512x32xf32, #tpu.memory_space<vmem>> -> memref<512x32xf32, #tpu.memory_space<vmem>>
      tpu.enqueue_dma source(%dma_start3A_1034 : memref<512x32xf32, #tpu.memory_space<vmem>>) target(%dma_start3A_1030 : memref<512x32xf32, #tpu.memory_space<hbm>>) target_semaphore(%arg16 : memref<!tpu.dma_semaphore, #tpu.memory_space<semaphore_mem>>)
      %dma_wait3A_1035 = arith.constant 5 : i32
      %dma_wait3A_1036 = arith.constant 0 : i32
      %dma_wait3A_1037 = arith.constant 0 : i32
      %dma_wait3A_1038 = arith.constant 0 : i32
      %dma_wait3A_1039 = tpu.memref_slice %arg6[%dma_wait3A_1035, %dma_wait3A_1037, %dma_wait3A_1038] : memref<6x512x32xf32, #tpu.memory_space<vmem>> -> memref<1x512x32xf32, #tpu.memory_space<vmem>>
      %dma_wait3A_1040 = tpu.memref_squeeze %dma_wait3A_1039 : memref<1x512x32xf32, #tpu.memory_space<vmem>> -> memref<512x32xf32, #tpu.memory_space<vmem>>
      %dma_wait3A_1041 = arith.constant 0 : i32
      %dma_wait3A_1042 = arith.constant 0 : i32
      %dma_wait3A_1043 = tpu.memref_slice %arg4[%dma_wait3A_1036, %dma_wait3A_1041, %dma_wait3A_1042] : memref<1600x512x32xf32, #tpu.memory_space<hbm>> -> memref<1x512x32xf32, #tpu.memory_space<hbm>>
      %dma_wait3A_1044 = tpu.memref_squeeze %dma_wait3A_1043 : memref<1x512x32xf32, #tpu.memory_space<hbm>> -> memref<512x32xf32, #tpu.memory_space<hbm>>
      %dma_wait3A_1045 = arith.constant 0 : i32
      %dma_wait3A_1046 = arith.constant 0 : i32
      %dma_wait3A_1047 = tpu.memref_slice %arg4[%dma_wait3A_1036, %dma_wait3A_1045, %dma_wait3A_1046] : memref<1600x512x32xf32, #tpu.memory_space<hbm>> -> memref<1x512x32xf32, #tpu.memory_space<hbm>>
      %dma_wait3A_1048 = tpu.memref_squeeze %dma_wait3A_1047 : memref<1x512x32xf32, #tpu.memory_space<hbm>> -> memref<512x32xf32, #tpu.memory_space<hbm>>
      %dma_wait3A_1049 = arith.constant 0 : i32
      %dma_wait3A_1050 = arith.constant 0 : i32
      %dma_wait3A_1051 = tpu.memref_slice %arg6[%dma_wait3A_1035, %dma_wait3A_1049, %dma_wait3A_1050] : memref<6x512x32xf32, #tpu.memory_space<vmem>> -> memref<1x512x32xf32, #tpu.memory_space<vmem>>
      %dma_wait3A_1052 = tpu.memref_squeeze %dma_wait3A_1051 : memref<1x512x32xf32, #tpu.memory_space<vmem>> -> memref<512x32xf32, #tpu.memory_space<vmem>>
      tpu.wait_dma2 semaphore(%arg19 : memref<!tpu.dma_semaphore, #tpu.memory_space<semaphore_mem>>) src(%dma_wait3A_1052 : memref<512x32xf32, #tpu.memory_space<vmem>>) dst(%dma_wait3A_1048 : memref<512x32xf32, #tpu.memory_space<hbm>>)
      %add3A_1053 = arith.constant 3 : i32
      %add3A_1054 = arith.addi %add3A_1004, %add3A_1053 : i32
      %dma_start3A_1055 = arith.constant 5 : i32
      %dma_start3A_1056 = arith.constant 0 : i32
      %dma_start3A_1057 = arith.constant 0 : i32
      %dma_start3A_1058 = tpu.memref_slice %arg6[%dma_start3A_1055, %dma_start3A_1056, %dma_start3A_1057] : memref<6x512x32xf32, #tpu.memory_space<vmem>> -> memref<1x512x32xf32, #tpu.memory_space<vmem>>
      %dma_start3A_1059 = tpu.memref_squeeze %dma_start3A_1058 : memref<1x512x32xf32, #tpu.memory_space<vmem>> -> memref<512x32xf32, #tpu.memory_space<vmem>>
      %dma_start3A_1060 = arith.constant 0 : i32
      %dma_start3A_1061 = tpu.memref_slice %arg5[%add3A_1054, %dma_start3A_1060] : memref<50x512xi32, #tpu.memory_space<vmem>> -> memref<1x512xi32, #tpu.memory_space<vmem>>
      %dma_start3A_1062 = tpu.memref_squeeze %dma_start3A_1061 : memref<1x512xi32, #tpu.memory_space<vmem>> -> memref<512xi32, #tpu.memory_space<vmem>>
      %dma_start3A_1063 = arith.constant 0 : i32
      %dma_start3A_1064 = arith.constant 0 : i32
      %dma_start3A_1065 = tpu.memref_slice %arg3[%dma_start3A_1063, %dma_start3A_1064] : memref<1000000x32xf32, #tpu.memory_space<hbm>> -> memref<1000000x32xf32, #tpu.memory_space<hbm>>
      tpu.enqueue_indirect_dma source(%dma_start3A_1065 : memref<1000000x32xf32, #tpu.memory_space<hbm>>) target(%dma_start3A_1059 : memref<512x32xf32, #tpu.memory_space<vmem>>) offsets(%dma_start3A_1062 : memref<512xi32, #tpu.memory_space<vmem>>) semaphore(%arg13 : memref<!tpu.dma_semaphore, #tpu.memory_space<semaphore_mem>>)
      %mul3A_1066 = arith.constant 6 : i32
      %mul3A_1067 = arith.muli %mul3A_1066, %scan3A_870 : i32
      %add3A_1068 = arith.constant 3 : i32
      %add3A_1069 = arith.addi %mul3A_1067, %add3A_1068 : i32
      %dma_wait3A_1070 = arith.constant 0 : i32
      %dma_wait3A_1071 = arith.constant 3 : i32
      %dma_wait3A_1072 = arith.constant 0 : i32
      %dma_wait3A_1073 = arith.constant 0 : i32
      %dma_wait3A_1074 = tpu.memref_slice %arg6[%dma_wait3A_1071, %dma_wait3A_1072, %dma_wait3A_1073] : memref<6x512x32xf32, #tpu.memory_space<vmem>> -> memref<1x512x32xf32, #tpu.memory_space<vmem>>
      %dma_wait3A_1075 = tpu.memref_squeeze %dma_wait3A_1074 : memref<1x512x32xf32, #tpu.memory_space<vmem>> -> memref<512x32xf32, #tpu.memory_space<vmem>>
      %dma_wait3A_1076 = arith.constant 0 : i32
      %dma_wait3A_1077 = tpu.memref_slice %arg5[%dma_wait3A_1070, %dma_wait3A_1076] : memref<50x512xi32, #tpu.memory_space<vmem>> -> memref<1x512xi32, #tpu.memory_space<vmem>>
      %dma_wait3A_1078 = tpu.memref_squeeze %dma_wait3A_1077 : memref<1x512xi32, #tpu.memory_space<vmem>> -> memref<512xi32, #tpu.memory_space<vmem>>
      %dma_wait3A_1079 = arith.constant 0 : i32
      %dma_wait3A_1080 = arith.constant 0 : i32
      %dma_wait3A_1081 = tpu.memref_slice %arg3[%dma_wait3A_1079, %dma_wait3A_1080] : memref<1000000x32xf32, #tpu.memory_space<hbm>> -> memref<1000000x32xf32, #tpu.memory_space<hbm>>
      tpu.wait_indirect_dma semaphore(%arg11 : memref<!tpu.dma_semaphore, #tpu.memory_space<semaphore_mem>>) src(%dma_wait3A_1081 : memref<1000000x32xf32, #tpu.memory_space<hbm>>) dst(%dma_wait3A_1075 : memref<512x32xf32, #tpu.memory_space<vmem>>)
      %add3A_1082 = arith.addi %mul3A_2, %add3A_1069 : i32
      %dma_start3A_1083 = arith.constant 3 : i32
      %dma_start3A_1084 = arith.constant 0 : i32
      %dma_start3A_1085 = arith.constant 0 : i32
      %dma_start3A_1086 = tpu.memref_slice %arg6[%dma_start3A_1083, %dma_start3A_1084, %dma_start3A_1085] : memref<6x512x32xf32, #tpu.memory_space<vmem>> -> memref<1x512x32xf32, #tpu.memory_space<vmem>>
      %dma_start3A_1087 = tpu.memref_squeeze %dma_start3A_1086 : memref<1x512x32xf32, #tpu.memory_space<vmem>> -> memref<512x32xf32, #tpu.memory_space<vmem>>
      %dma_start3A_1088 = arith.constant 0 : i32
      %dma_start3A_1089 = arith.constant 0 : i32
      %dma_start3A_1090 = tpu.memref_slice %arg4[%add3A_1082, %dma_start3A_1088, %dma_start3A_1089] : memref<1600x512x32xf32, #tpu.memory_space<hbm>> -> memref<1x512x32xf32, #tpu.memory_space<hbm>>
      %dma_start3A_1091 = tpu.memref_squeeze %dma_start3A_1090 : memref<1x512x32xf32, #tpu.memory_space<hbm>> -> memref<512x32xf32, #tpu.memory_space<hbm>>
      %dma_start3A_1092 = arith.constant 0 : i32
      %dma_start3A_1093 = arith.constant 0 : i32
      %dma_start3A_1094 = tpu.memref_slice %arg4[%add3A_1082, %dma_start3A_1092, %dma_start3A_1093] : memref<1600x512x32xf32, #tpu.memory_space<hbm>> -> memref<1x512x32xf32, #tpu.memory_space<hbm>>
      %dma_start3A_1095 = tpu.memref_squeeze %dma_start3A_1094 : memref<1x512x32xf32, #tpu.memory_space<hbm>> -> memref<512x32xf32, #tpu.memory_space<hbm>>
      %dma_start3A_1096 = arith.constant 0 : i32
      %dma_start3A_1097 = arith.constant 0 : i32
      %dma_start3A_1098 = tpu.memref_slice %arg6[%dma_start3A_1083, %dma_start3A_1096, %dma_start3A_1097] : memref<6x512x32xf32, #tpu.memory_space<vmem>> -> memref<1x512x32xf32, #tpu.memory_space<vmem>>
      %dma_start3A_1099 = tpu.memref_squeeze %dma_start3A_1098 : memref<1x512x32xf32, #tpu.memory_space<vmem>> -> memref<512x32xf32, #tpu.memory_space<vmem>>
      tpu.enqueue_dma source(%dma_start3A_1099 : memref<512x32xf32, #tpu.memory_space<vmem>>) target(%dma_start3A_1095 : memref<512x32xf32, #tpu.memory_space<hbm>>) target_semaphore(%arg17 : memref<!tpu.dma_semaphore, #tpu.memory_space<semaphore_mem>>)
      %dma_wait3A_1100 = arith.constant 0 : i32
      %dma_wait3A_1101 = arith.constant 0 : i32
      %dma_wait3A_1102 = arith.constant 0 : i32
      %dma_wait3A_1103 = arith.constant 0 : i32
      %dma_wait3A_1104 = tpu.memref_slice %arg6[%dma_wait3A_1100, %dma_wait3A_1102, %dma_wait3A_1103] : memref<6x512x32xf32, #tpu.memory_space<vmem>> -> memref<1x512x32xf32, #tpu.memory_space<vmem>>
      %dma_wait3A_1105 = tpu.memref_squeeze %dma_wait3A_1104 : memref<1x512x32xf32, #tpu.memory_space<vmem>> -> memref<512x32xf32, #tpu.memory_space<vmem>>
      %dma_wait3A_1106 = arith.constant 0 : i32
      %dma_wait3A_1107 = arith.constant 0 : i32
      %dma_wait3A_1108 = tpu.memref_slice %arg4[%dma_wait3A_1101, %dma_wait3A_1106, %dma_wait3A_1107] : memref<1600x512x32xf32, #tpu.memory_space<hbm>> -> memref<1x512x32xf32, #tpu.memory_space<hbm>>
      %dma_wait3A_1109 = tpu.memref_squeeze %dma_wait3A_1108 : memref<1x512x32xf32, #tpu.memory_space<hbm>> -> memref<512x32xf32, #tpu.memory_space<hbm>>
      %dma_wait3A_1110 = arith.constant 0 : i32
      %dma_wait3A_1111 = arith.constant 0 : i32
      %dma_wait3A_1112 = tpu.memref_slice %arg4[%dma_wait3A_1101, %dma_wait3A_1110, %dma_wait3A_1111] : memref<1600x512x32xf32, #tpu.memory_space<hbm>> -> memref<1x512x32xf32, #tpu.memory_space<hbm>>
      %dma_wait3A_1113 = tpu.memref_squeeze %dma_wait3A_1112 : memref<1x512x32xf32, #tpu.memory_space<hbm>> -> memref<512x32xf32, #tpu.memory_space<hbm>>
      %dma_wait3A_1114 = arith.constant 0 : i32
      %dma_wait3A_1115 = arith.constant 0 : i32
      %dma_wait3A_1116 = tpu.memref_slice %arg6[%dma_wait3A_1100, %dma_wait3A_1114, %dma_wait3A_1115] : memref<6x512x32xf32, #tpu.memory_space<vmem>> -> memref<1x512x32xf32, #tpu.memory_space<vmem>>
      %dma_wait3A_1117 = tpu.memref_squeeze %dma_wait3A_1116 : memref<1x512x32xf32, #tpu.memory_space<vmem>> -> memref<512x32xf32, #tpu.memory_space<vmem>>
      tpu.wait_dma2 semaphore(%arg14 : memref<!tpu.dma_semaphore, #tpu.memory_space<semaphore_mem>>) src(%dma_wait3A_1117 : memref<512x32xf32, #tpu.memory_space<vmem>>) dst(%dma_wait3A_1113 : memref<512x32xf32, #tpu.memory_space<hbm>>)
      %add3A_1118 = arith.constant 3 : i32
      %add3A_1119 = arith.addi %add3A_1069, %add3A_1118 : i32
      %dma_start3A_1120 = arith.constant 0 : i32
      %dma_start3A_1121 = arith.constant 0 : i32
      %dma_start3A_1122 = arith.constant 0 : i32
      %dma_start3A_1123 = tpu.memref_slice %arg6[%dma_start3A_1120, %dma_start3A_1121, %dma_start3A_1122] : memref<6x512x32xf32, #tpu.memory_space<vmem>> -> memref<1x512x32xf32, #tpu.memory_space<vmem>>
      %dma_start3A_1124 = tpu.memref_squeeze %dma_start3A_1123 : memref<1x512x32xf32, #tpu.memory_space<vmem>> -> memref<512x32xf32, #tpu.memory_space<vmem>>
      %dma_start3A_1125 = arith.constant 0 : i32
      %dma_start3A_1126 = tpu.memref_slice %arg5[%add3A_1119, %dma_start3A_1125] : memref<50x512xi32, #tpu.memory_space<vmem>> -> memref<1x512xi32, #tpu.memory_space<vmem>>
      %dma_start3A_1127 = tpu.memref_squeeze %dma_start3A_1126 : memref<1x512xi32, #tpu.memory_space<vmem>> -> memref<512xi32, #tpu.memory_space<vmem>>
      %dma_start3A_1128 = arith.constant 0 : i32
      %dma_start3A_1129 = arith.constant 0 : i32
      %dma_start3A_1130 = tpu.memref_slice %arg3[%dma_start3A_1128, %dma_start3A_1129] : memref<1000000x32xf32, #tpu.memory_space<hbm>> -> memref<1000000x32xf32, #tpu.memory_space<hbm>>
      tpu.enqueue_indirect_dma source(%dma_start3A_1130 : memref<1000000x32xf32, #tpu.memory_space<hbm>>) target(%dma_start3A_1124 : memref<512x32xf32, #tpu.memory_space<vmem>>) offsets(%dma_start3A_1127 : memref<512xi32, #tpu.memory_space<vmem>>) semaphore(%arg8 : memref<!tpu.dma_semaphore, #tpu.memory_space<semaphore_mem>>)
      %mul3A_1131 = arith.constant 6 : i32
      %mul3A_1132 = arith.muli %mul3A_1131, %scan3A_870 : i32
      %add3A_1133 = arith.constant 4 : i32
      %add3A_1134 = arith.addi %mul3A_1132, %add3A_1133 : i32
      %dma_wait3A_1135 = arith.constant 0 : i32
      %dma_wait3A_1136 = arith.constant 4 : i32
      %dma_wait3A_1137 = arith.constant 0 : i32
      %dma_wait3A_1138 = arith.constant 0 : i32
      %dma_wait3A_1139 = tpu.memref_slice %arg6[%dma_wait3A_1136, %dma_wait3A_1137, %dma_wait3A_1138] : memref<6x512x32xf32, #tpu.memory_space<vmem>> -> memref<1x512x32xf32, #tpu.memory_space<vmem>>
      %dma_wait3A_1140 = tpu.memref_squeeze %dma_wait3A_1139 : memref<1x512x32xf32, #tpu.memory_space<vmem>> -> memref<512x32xf32, #tpu.memory_space<vmem>>
      %dma_wait3A_1141 = arith.constant 0 : i32
      %dma_wait3A_1142 = tpu.memref_slice %arg5[%dma_wait3A_1135, %dma_wait3A_1141] : memref<50x512xi32, #tpu.memory_space<vmem>> -> memref<1x512xi32, #tpu.memory_space<vmem>>
      %dma_wait3A_1143 = tpu.memref_squeeze %dma_wait3A_1142 : memref<1x512xi32, #tpu.memory_space<vmem>> -> memref<512xi32, #tpu.memory_space<vmem>>
      %dma_wait3A_1144 = arith.constant 0 : i32
      %dma_wait3A_1145 = arith.constant 0 : i32
      %dma_wait3A_1146 = tpu.memref_slice %arg3[%dma_wait3A_1144, %dma_wait3A_1145] : memref<1000000x32xf32, #tpu.memory_space<hbm>> -> memref<1000000x32xf32, #tpu.memory_space<hbm>>
      tpu.wait_indirect_dma semaphore(%arg12 : memref<!tpu.dma_semaphore, #tpu.memory_space<semaphore_mem>>) src(%dma_wait3A_1146 : memref<1000000x32xf32, #tpu.memory_space<hbm>>) dst(%dma_wait3A_1140 : memref<512x32xf32, #tpu.memory_space<vmem>>)
      %add3A_1147 = arith.addi %mul3A_2, %add3A_1134 : i32
      %dma_start3A_1148 = arith.constant 4 : i32
      %dma_start3A_1149 = arith.constant 0 : i32
      %dma_start3A_1150 = arith.constant 0 : i32
      %dma_start3A_1151 = tpu.memref_slice %arg6[%dma_start3A_1148, %dma_start3A_1149, %dma_start3A_1150] : memref<6x512x32xf32, #tpu.memory_space<vmem>> -> memref<1x512x32xf32, #tpu.memory_space<vmem>>
      %dma_start3A_1152 = tpu.memref_squeeze %dma_start3A_1151 : memref<1x512x32xf32, #tpu.memory_space<vmem>> -> memref<512x32xf32, #tpu.memory_space<vmem>>
      %dma_start3A_1153 = arith.constant 0 : i32
      %dma_start3A_1154 = arith.constant 0 : i32
      %dma_start3A_1155 = tpu.memref_slice %arg4[%add3A_1147, %dma_start3A_1153, %dma_start3A_1154] : memref<1600x512x32xf32, #tpu.memory_space<hbm>> -> memref<1x512x32xf32, #tpu.memory_space<hbm>>
      %dma_start3A_1156 = tpu.memref_squeeze %dma_start3A_1155 : memref<1x512x32xf32, #tpu.memory_space<hbm>> -> memref<512x32xf32, #tpu.memory_space<hbm>>
      %dma_start3A_1157 = arith.constant 0 : i32
      %dma_start3A_1158 = arith.constant 0 : i32
      %dma_start3A_1159 = tpu.memref_slice %arg4[%add3A_1147, %dma_start3A_1157, %dma_start3A_1158] : memref<1600x512x32xf32, #tpu.memory_space<hbm>> -> memref<1x512x32xf32, #tpu.memory_space<hbm>>
      %dma_start3A_1160 = tpu.memref_squeeze %dma_start3A_1159 : memref<1x512x32xf32, #tpu.memory_space<hbm>> -> memref<512x32xf32, #tpu.memory_space<hbm>>
      %dma_start3A_1161 = arith.constant 0 : i32
      %dma_start3A_1162 = arith.constant 0 : i32
      %dma_start3A_1163 = tpu.memref_slice %arg6[%dma_start3A_1148, %dma_start3A_1161, %dma_start3A_1162] : memref<6x512x32xf32, #tpu.memory_space<vmem>> -> memref<1x512x32xf32, #tpu.memory_space<vmem>>
      %dma_start3A_1164 = tpu.memref_squeeze %dma_start3A_1163 : memref<1x512x32xf32, #tpu.memory_space<vmem>> -> memref<512x32xf32, #tpu.memory_space<vmem>>
      tpu.enqueue_dma source(%dma_start3A_1164 : memref<512x32xf32, #tpu.memory_space<vmem>>) target(%dma_start3A_1160 : memref<512x32xf32, #tpu.memory_space<hbm>>) target_semaphore(%arg18 : memref<!tpu.dma_semaphore, #tpu.memory_space<semaphore_mem>>)
      %dma_wait3A_1165 = arith.constant 1 : i32
      %dma_wait3A_1166 = arith.constant 0 : i32
      %dma_wait3A_1167 = arith.constant 0 : i32
      %dma_wait3A_1168 = arith.constant 0 : i32
      %dma_wait3A_1169 = tpu.memref_slice %arg6[%dma_wait3A_1165, %dma_wait3A_1167, %dma_wait3A_1168] : memref<6x512x32xf32, #tpu.memory_space<vmem>> -> memref<1x512x32xf32, #tpu.memory_space<vmem>>
      %dma_wait3A_1170 = tpu.memref_squeeze %dma_wait3A_1169 : memref<1x512x32xf32, #tpu.memory_space<vmem>> -> memref<512x32xf32, #tpu.memory_space<vmem>>
      %dma_wait3A_1171 = arith.constant 0 : i32
      %dma_wait3A_1172 = arith.constant 0 : i32
      %dma_wait3A_1173 = tpu.memref_slice %arg4[%dma_wait3A_1166, %dma_wait3A_1171, %dma_wait3A_1172] : memref<1600x512x32xf32, #tpu.memory_space<hbm>> -> memref<1x512x32xf32, #tpu.memory_space<hbm>>
      %dma_wait3A_1174 = tpu.memref_squeeze %dma_wait3A_1173 : memref<1x512x32xf32, #tpu.memory_space<hbm>> -> memref<512x32xf32, #tpu.memory_space<hbm>>
      %dma_wait3A_1175 = arith.constant 0 : i32
      %dma_wait3A_1176 = arith.constant 0 : i32
      %dma_wait3A_1177 = tpu.memref_slice %arg4[%dma_wait3A_1166, %dma_wait3A_1175, %dma_wait3A_1176] : memref<1600x512x32xf32, #tpu.memory_space<hbm>> -> memref<1x512x32xf32, #tpu.memory_space<hbm>>
      %dma_wait3A_1178 = tpu.memref_squeeze %dma_wait3A_1177 : memref<1x512x32xf32, #tpu.memory_space<hbm>> -> memref<512x32xf32, #tpu.memory_space<hbm>>
      %dma_wait3A_1179 = arith.constant 0 : i32
      %dma_wait3A_1180 = arith.constant 0 : i32
      %dma_wait3A_1181 = tpu.memref_slice %arg6[%dma_wait3A_1165, %dma_wait3A_1179, %dma_wait3A_1180] : memref<6x512x32xf32, #tpu.memory_space<vmem>> -> memref<1x512x32xf32, #tpu.memory_space<vmem>>
      %dma_wait3A_1182 = tpu.memref_squeeze %dma_wait3A_1181 : memref<1x512x32xf32, #tpu.memory_space<vmem>> -> memref<512x32xf32, #tpu.memory_space<vmem>>
      tpu.wait_dma2 semaphore(%arg15 : memref<!tpu.dma_semaphore, #tpu.memory_space<semaphore_mem>>) src(%dma_wait3A_1182 : memref<512x32xf32, #tpu.memory_space<vmem>>) dst(%dma_wait3A_1178 : memref<512x32xf32, #tpu.memory_space<hbm>>)
      %add3A_1183 = arith.constant 3 : i32
      %add3A_1184 = arith.addi %add3A_1134, %add3A_1183 : i32
      %dma_start3A_1185 = arith.constant 1 : i32
      %dma_start3A_1186 = arith.constant 0 : i32
      %dma_start3A_1187 = arith.constant 0 : i32
      %dma_start3A_1188 = tpu.memref_slice %arg6[%dma_start3A_1185, %dma_start3A_1186, %dma_start3A_1187] : memref<6x512x32xf32, #tpu.memory_space<vmem>> -> memref<1x512x32xf32, #tpu.memory_space<vmem>>
      %dma_start3A_1189 = tpu.memref_squeeze %dma_start3A_1188 : memref<1x512x32xf32, #tpu.memory_space<vmem>> -> memref<512x32xf32, #tpu.memory_space<vmem>>
      %dma_start3A_1190 = arith.constant 0 : i32
      %dma_start3A_1191 = tpu.memref_slice %arg5[%add3A_1184, %dma_start3A_1190] : memref<50x512xi32, #tpu.memory_space<vmem>> -> memref<1x512xi32, #tpu.memory_space<vmem>>
      %dma_start3A_1192 = tpu.memref_squeeze %dma_start3A_1191 : memref<1x512xi32, #tpu.memory_space<vmem>> -> memref<512xi32, #tpu.memory_space<vmem>>
      %dma_start3A_1193 = arith.constant 0 : i32
      %dma_start3A_1194 = arith.constant 0 : i32
      %dma_start3A_1195 = tpu.memref_slice %arg3[%dma_start3A_1193, %dma_start3A_1194] : memref<1000000x32xf32, #tpu.memory_space<hbm>> -> memref<1000000x32xf32, #tpu.memory_space<hbm>>
      tpu.enqueue_indirect_dma source(%dma_start3A_1195 : memref<1000000x32xf32, #tpu.memory_space<hbm>>) target(%dma_start3A_1189 : memref<512x32xf32, #tpu.memory_space<vmem>>) offsets(%dma_start3A_1192 : memref<512xi32, #tpu.memory_space<vmem>>) semaphore(%arg9 : memref<!tpu.dma_semaphore, #tpu.memory_space<semaphore_mem>>)
      %mul3A_1196 = arith.constant 6 : i32
      %mul3A_1197 = arith.muli %mul3A_1196, %scan3A_870 : i32
      %add3A_1198 = arith.constant 5 : i32
      %add3A_1199 = arith.addi %mul3A_1197, %add3A_1198 : i32
      %dma_wait3A_1200 = arith.constant 0 : i32
      %dma_wait3A_1201 = arith.constant 5 : i32
      %dma_wait3A_1202 = arith.constant 0 : i32
      %dma_wait3A_1203 = arith.constant 0 : i32
      %dma_wait3A_1204 = tpu.memref_slice %arg6[%dma_wait3A_1201, %dma_wait3A_1202, %dma_wait3A_1203] : memref<6x512x32xf32, #tpu.memory_space<vmem>> -> memref<1x512x32xf32, #tpu.memory_space<vmem>>
      %dma_wait3A_1205 = tpu.memref_squeeze %dma_wait3A_1204 : memref<1x512x32xf32, #tpu.memory_space<vmem>> -> memref<512x32xf32, #tpu.memory_space<vmem>>
      %dma_wait3A_1206 = arith.constant 0 : i32
      %dma_wait3A_1207 = tpu.memref_slice %arg5[%dma_wait3A_1200, %dma_wait3A_1206] : memref<50x512xi32, #tpu.memory_space<vmem>> -> memref<1x512xi32, #tpu.memory_space<vmem>>
      %dma_wait3A_1208 = tpu.memref_squeeze %dma_wait3A_1207 : memref<1x512xi32, #tpu.memory_space<vmem>> -> memref<512xi32, #tpu.memory_space<vmem>>
      %dma_wait3A_1209 = arith.constant 0 : i32
      %dma_wait3A_1210 = arith.constant 0 : i32
      %dma_wait3A_1211 = tpu.memref_slice %arg3[%dma_wait3A_1209, %dma_wait3A_1210] : memref<1000000x32xf32, #tpu.memory_space<hbm>> -> memref<1000000x32xf32, #tpu.memory_space<hbm>>
      tpu.wait_indirect_dma semaphore(%arg13 : memref<!tpu.dma_semaphore, #tpu.memory_space<semaphore_mem>>) src(%dma_wait3A_1211 : memref<1000000x32xf32, #tpu.memory_space<hbm>>) dst(%dma_wait3A_1205 : memref<512x32xf32, #tpu.memory_space<vmem>>)
      %add3A_1212 = arith.addi %mul3A_2, %add3A_1199 : i32
      %dma_start3A_1213 = arith.constant 5 : i32
      %dma_start3A_1214 = arith.constant 0 : i32
      %dma_start3A_1215 = arith.constant 0 : i32
      %dma_start3A_1216 = tpu.memref_slice %arg6[%dma_start3A_1213, %dma_start3A_1214, %dma_start3A_1215] : memref<6x512x32xf32, #tpu.memory_space<vmem>> -> memref<1x512x32xf32, #tpu.memory_space<vmem>>
      %dma_start3A_1217 = tpu.memref_squeeze %dma_start3A_1216 : memref<1x512x32xf32, #tpu.memory_space<vmem>> -> memref<512x32xf32, #tpu.memory_space<vmem>>
      %dma_start3A_1218 = arith.constant 0 : i32
      %dma_start3A_1219 = arith.constant 0 : i32
      %dma_start3A_1220 = tpu.memref_slice %arg4[%add3A_1212, %dma_start3A_1218, %dma_start3A_1219] : memref<1600x512x32xf32, #tpu.memory_space<hbm>> -> memref<1x512x32xf32, #tpu.memory_space<hbm>>
      %dma_start3A_1221 = tpu.memref_squeeze %dma_start3A_1220 : memref<1x512x32xf32, #tpu.memory_space<hbm>> -> memref<512x32xf32, #tpu.memory_space<hbm>>
      %dma_start3A_1222 = arith.constant 0 : i32
      %dma_start3A_1223 = arith.constant 0 : i32
      %dma_start3A_1224 = tpu.memref_slice %arg4[%add3A_1212, %dma_start3A_1222, %dma_start3A_1223] : memref<1600x512x32xf32, #tpu.memory_space<hbm>> -> memref<1x512x32xf32, #tpu.memory_space<hbm>>
      %dma_start3A_1225 = tpu.memref_squeeze %dma_start3A_1224 : memref<1x512x32xf32, #tpu.memory_space<hbm>> -> memref<512x32xf32, #tpu.memory_space<hbm>>
      %dma_start3A_1226 = arith.constant 0 : i32
      %dma_start3A_1227 = arith.constant 0 : i32
      %dma_start3A_1228 = tpu.memref_slice %arg6[%dma_start3A_1213, %dma_start3A_1226, %dma_start3A_1227] : memref<6x512x32xf32, #tpu.memory_space<vmem>> -> memref<1x512x32xf32, #tpu.memory_space<vmem>>
      %dma_start3A_1229 = tpu.memref_squeeze %dma_start3A_1228 : memref<1x512x32xf32, #tpu.memory_space<vmem>> -> memref<512x32xf32, #tpu.memory_space<vmem>>
      tpu.enqueue_dma source(%dma_start3A_1229 : memref<512x32xf32, #tpu.memory_space<vmem>>) target(%dma_start3A_1225 : memref<512x32xf32, #tpu.memory_space<hbm>>) target_semaphore(%arg19 : memref<!tpu.dma_semaphore, #tpu.memory_space<semaphore_mem>>)
      %dma_wait3A_1230 = arith.constant 2 : i32
      %dma_wait3A_1231 = arith.constant 0 : i32
      %dma_wait3A_1232 = arith.constant 0 : i32
      %dma_wait3A_1233 = arith.constant 0 : i32
      %dma_wait3A_1234 = tpu.memref_slice %arg6[%dma_wait3A_1230, %dma_wait3A_1232, %dma_wait3A_1233] : memref<6x512x32xf32, #tpu.memory_space<vmem>> -> memref<1x512x32xf32, #tpu.memory_space<vmem>>
      %dma_wait3A_1235 = tpu.memref_squeeze %dma_wait3A_1234 : memref<1x512x32xf32, #tpu.memory_space<vmem>> -> memref<512x32xf32, #tpu.memory_space<vmem>>
      %dma_wait3A_1236 = arith.constant 0 : i32
      %dma_wait3A_1237 = arith.constant 0 : i32
      %dma_wait3A_1238 = tpu.memref_slice %arg4[%dma_wait3A_1231, %dma_wait3A_1236, %dma_wait3A_1237] : memref<1600x512x32xf32, #tpu.memory_space<hbm>> -> memref<1x512x32xf32, #tpu.memory_space<hbm>>
      %dma_wait3A_1239 = tpu.memref_squeeze %dma_wait3A_1238 : memref<1x512x32xf32, #tpu.memory_space<hbm>> -> memref<512x32xf32, #tpu.memory_space<hbm>>
      %dma_wait3A_1240 = arith.constant 0 : i32
      %dma_wait3A_1241 = arith.constant 0 : i32
      %dma_wait3A_1242 = tpu.memref_slice %arg4[%dma_wait3A_1231, %dma_wait3A_1240, %dma_wait3A_1241] : memref<1600x512x32xf32, #tpu.memory_space<hbm>> -> memref<1x512x32xf32, #tpu.memory_space<hbm>>
      %dma_wait3A_1243 = tpu.memref_squeeze %dma_wait3A_1242 : memref<1x512x32xf32, #tpu.memory_space<hbm>> -> memref<512x32xf32, #tpu.memory_space<hbm>>
      %dma_wait3A_1244 = arith.constant 0 : i32
      %dma_wait3A_1245 = arith.constant 0 : i32
      %dma_wait3A_1246 = tpu.memref_slice %arg6[%dma_wait3A_1230, %dma_wait3A_1244, %dma_wait3A_1245] : memref<6x512x32xf32, #tpu.memory_space<vmem>> -> memref<1x512x32xf32, #tpu.memory_space<vmem>>
      %dma_wait3A_1247 = tpu.memref_squeeze %dma_wait3A_1246 : memref<1x512x32xf32, #tpu.memory_space<vmem>> -> memref<512x32xf32, #tpu.memory_space<vmem>>
      tpu.wait_dma2 semaphore(%arg16 : memref<!tpu.dma_semaphore, #tpu.memory_space<semaphore_mem>>) src(%dma_wait3A_1247 : memref<512x32xf32, #tpu.memory_space<vmem>>) dst(%dma_wait3A_1243 : memref<512x32xf32, #tpu.memory_space<hbm>>)
      %add3A_1248 = arith.constant 3 : i32
      %add3A_1249 = arith.addi %add3A_1199, %add3A_1248 : i32
      %dma_start3A_1250 = arith.constant 2 : i32
      %dma_start3A_1251 = arith.constant 0 : i32
      %dma_start3A_1252 = arith.constant 0 : i32
      %dma_start3A_1253 = tpu.memref_slice %arg6[%dma_start3A_1250, %dma_start3A_1251, %dma_start3A_1252] : memref<6x512x32xf32, #tpu.memory_space<vmem>> -> memref<1x512x32xf32, #tpu.memory_space<vmem>>
      %dma_start3A_1254 = tpu.memref_squeeze %dma_start3A_1253 : memref<1x512x32xf32, #tpu.memory_space<vmem>> -> memref<512x32xf32, #tpu.memory_space<vmem>>
      %dma_start3A_1255 = arith.constant 0 : i32
      %dma_start3A_1256 = tpu.memref_slice %arg5[%add3A_1249, %dma_start3A_1255] : memref<50x512xi32, #tpu.memory_space<vmem>> -> memref<1x512xi32, #tpu.memory_space<vmem>>
      %dma_start3A_1257 = tpu.memref_squeeze %dma_start3A_1256 : memref<1x512xi32, #tpu.memory_space<vmem>> -> memref<512xi32, #tpu.memory_space<vmem>>
      %dma_start3A_1258 = arith.constant 0 : i32
      %dma_start3A_1259 = arith.constant 0 : i32
      %dma_start3A_1260 = tpu.memref_slice %arg3[%dma_start3A_1258, %dma_start3A_1259] : memref<1000000x32xf32, #tpu.memory_space<hbm>> -> memref<1000000x32xf32, #tpu.memory_space<hbm>>
      tpu.enqueue_indirect_dma source(%dma_start3A_1260 : memref<1000000x32xf32, #tpu.memory_space<hbm>>) target(%dma_start3A_1254 : memref<512x32xf32, #tpu.memory_space<vmem>>) offsets(%dma_start3A_1257 : memref<512xi32, #tpu.memory_space<vmem>>) semaphore(%arg10 : memref<!tpu.dma_semaphore, #tpu.memory_space<semaphore_mem>>)
    }
    %scan3A_363 = arith.constant 6 : i32
    %dma_wait3A_364 = arith.constant 0 : i32
    %dma_wait3A_365 = arith.constant 0 : i32
    %dma_wait3A_366 = arith.constant 0 : i32
    %dma_wait3A_367 = arith.constant 0 : i32
    %dma_wait3A_368 = tpu.memref_slice %arg6[%dma_wait3A_365, %dma_wait3A_366, %dma_wait3A_367] : memref<6x512x32xf32, #tpu.memory_space<vmem>> -> memref<1x512x32xf32, #tpu.memory_space<vmem>>
    %dma_wait3A_369 = tpu.memref_squeeze %dma_wait3A_368 : memref<1x512x32xf32, #tpu.memory_space<vmem>> -> memref<512x32xf32, #tpu.memory_space<vmem>>
    %dma_wait3A_370 = arith.constant 0 : i32
    %dma_wait3A_371 = tpu.memref_slice %arg5[%dma_wait3A_364, %dma_wait3A_370] : memref<50x512xi32, #tpu.memory_space<vmem>> -> memref<1x512xi32, #tpu.memory_space<vmem>>
    %dma_wait3A_372 = tpu.memref_squeeze %dma_wait3A_371 : memref<1x512xi32, #tpu.memory_space<vmem>> -> memref<512xi32, #tpu.memory_space<vmem>>
    %dma_wait3A_373 = arith.constant 0 : i32
    %dma_wait3A_374 = arith.constant 0 : i32
    %dma_wait3A_375 = tpu.memref_slice %arg3[%dma_wait3A_373, %dma_wait3A_374] : memref<1000000x32xf32, #tpu.memory_space<hbm>> -> memref<1000000x32xf32, #tpu.memory_space<hbm>>
    tpu.wait_indirect_dma semaphore(%arg8 : memref<!tpu.dma_semaphore, #tpu.memory_space<semaphore_mem>>) src(%dma_wait3A_375 : memref<1000000x32xf32, #tpu.memory_space<hbm>>) dst(%dma_wait3A_369 : memref<512x32xf32, #tpu.memory_space<vmem>>)
    %add3A_376 = arith.constant 42 : i32
    %add3A_377 = arith.addi %mul3A_2, %add3A_376 : i32
    %dma_start3A_378 = arith.constant 0 : i32
    %dma_start3A_379 = arith.constant 0 : i32
    %dma_start3A_380 = arith.constant 0 : i32
    %dma_start3A_381 = tpu.memref_slice %arg6[%dma_start3A_378, %dma_start3A_379, %dma_start3A_380] : memref<6x512x32xf32, #tpu.memory_space<vmem>> -> memref<1x512x32xf32, #tpu.memory_space<vmem>>
    %dma_start3A_382 = tpu.memref_squeeze %dma_start3A_381 : memref<1x512x32xf32, #tpu.memory_space<vmem>> -> memref<512x32xf32, #tpu.memory_space<vmem>>
    %dma_start3A_383 = arith.constant 0 : i32
    %dma_start3A_384 = arith.constant 0 : i32
    %dma_start3A_385 = tpu.memref_slice %arg4[%add3A_377, %dma_start3A_383, %dma_start3A_384] : memref<1600x512x32xf32, #tpu.memory_space<hbm>> -> memref<1x512x32xf32, #tpu.memory_space<hbm>>
    %dma_start3A_386 = tpu.memref_squeeze %dma_start3A_385 : memref<1x512x32xf32, #tpu.memory_space<hbm>> -> memref<512x32xf32, #tpu.memory_space<hbm>>
    %dma_start3A_387 = arith.constant 0 : i32
    %dma_start3A_388 = arith.constant 0 : i32
    %dma_start3A_389 = tpu.memref_slice %arg4[%add3A_377, %dma_start3A_387, %dma_start3A_388] : memref<1600x512x32xf32, #tpu.memory_space<hbm>> -> memref<1x512x32xf32, #tpu.memory_space<hbm>>
    %dma_start3A_390 = tpu.memref_squeeze %dma_start3A_389 : memref<1x512x32xf32, #tpu.memory_space<hbm>> -> memref<512x32xf32, #tpu.memory_space<hbm>>
    %dma_start3A_391 = arith.constant 0 : i32
    %dma_start3A_392 = arith.constant 0 : i32
    %dma_start3A_393 = tpu.memref_slice %arg6[%dma_start3A_378, %dma_start3A_391, %dma_start3A_392] : memref<6x512x32xf32, #tpu.memory_space<vmem>> -> memref<1x512x32xf32, #tpu.memory_space<vmem>>
    %dma_start3A_394 = tpu.memref_squeeze %dma_start3A_393 : memref<1x512x32xf32, #tpu.memory_space<vmem>> -> memref<512x32xf32, #tpu.memory_space<vmem>>
    tpu.enqueue_dma source(%dma_start3A_394 : memref<512x32xf32, #tpu.memory_space<vmem>>) target(%dma_start3A_390 : memref<512x32xf32, #tpu.memory_space<hbm>>) target_semaphore(%arg14 : memref<!tpu.dma_semaphore, #tpu.memory_space<semaphore_mem>>)
    %dma_wait3A_395 = arith.constant 3 : i32
    %dma_wait3A_396 = arith.constant 0 : i32
    %dma_wait3A_397 = arith.constant 0 : i32
    %dma_wait3A_398 = arith.constant 0 : i32
    %dma_wait3A_399 = tpu.memref_slice %arg6[%dma_wait3A_395, %dma_wait3A_397, %dma_wait3A_398] : memref<6x512x32xf32, #tpu.memory_space<vmem>> -> memref<1x512x32xf32, #tpu.memory_space<vmem>>
    %dma_wait3A_400 = tpu.memref_squeeze %dma_wait3A_399 : memref<1x512x32xf32, #tpu.memory_space<vmem>> -> memref<512x32xf32, #tpu.memory_space<vmem>>
    %dma_wait3A_401 = arith.constant 0 : i32
    %dma_wait3A_402 = arith.constant 0 : i32
    %dma_wait3A_403 = tpu.memref_slice %arg4[%dma_wait3A_396, %dma_wait3A_401, %dma_wait3A_402] : memref<1600x512x32xf32, #tpu.memory_space<hbm>> -> memref<1x512x32xf32, #tpu.memory_space<hbm>>
    %dma_wait3A_404 = tpu.memref_squeeze %dma_wait3A_403 : memref<1x512x32xf32, #tpu.memory_space<hbm>> -> memref<512x32xf32, #tpu.memory_space<hbm>>
    %dma_wait3A_405 = arith.constant 0 : i32
    %dma_wait3A_406 = arith.constant 0 : i32
    %dma_wait3A_407 = tpu.memref_slice %arg4[%dma_wait3A_396, %dma_wait3A_405, %dma_wait3A_406] : memref<1600x512x32xf32, #tpu.memory_space<hbm>> -> memref<1x512x32xf32, #tpu.memory_space<hbm>>
    %dma_wait3A_408 = tpu.memref_squeeze %dma_wait3A_407 : memref<1x512x32xf32, #tpu.memory_space<hbm>> -> memref<512x32xf32, #tpu.memory_space<hbm>>
    %dma_wait3A_409 = arith.constant 0 : i32
    %dma_wait3A_410 = arith.constant 0 : i32
    %dma_wait3A_411 = tpu.memref_slice %arg6[%dma_wait3A_395, %dma_wait3A_409, %dma_wait3A_410] : memref<6x512x32xf32, #tpu.memory_space<vmem>> -> memref<1x512x32xf32, #tpu.memory_space<vmem>>
    %dma_wait3A_412 = tpu.memref_squeeze %dma_wait3A_411 : memref<1x512x32xf32, #tpu.memory_space<vmem>> -> memref<512x32xf32, #tpu.memory_space<vmem>>
    tpu.wait_dma2 semaphore(%arg17 : memref<!tpu.dma_semaphore, #tpu.memory_space<semaphore_mem>>) src(%dma_wait3A_412 : memref<512x32xf32, #tpu.memory_space<vmem>>) dst(%dma_wait3A_408 : memref<512x32xf32, #tpu.memory_space<hbm>>)
    %dma_start3A_413 = arith.constant 45 : i32
    %dma_start3A_414 = arith.constant 3 : i32
    %dma_start3A_415 = arith.constant 0 : i32
    %dma_start3A_416 = arith.constant 0 : i32
    %dma_start3A_417 = tpu.memref_slice %arg6[%dma_start3A_414, %dma_start3A_415, %dma_start3A_416] : memref<6x512x32xf32, #tpu.memory_space<vmem>> -> memref<1x512x32xf32, #tpu.memory_space<vmem>>
    %dma_start3A_418 = tpu.memref_squeeze %dma_start3A_417 : memref<1x512x32xf32, #tpu.memory_space<vmem>> -> memref<512x32xf32, #tpu.memory_space<vmem>>
    %dma_start3A_419 = arith.constant 0 : i32
    %dma_start3A_420 = tpu.memref_slice %arg5[%dma_start3A_413, %dma_start3A_419] : memref<50x512xi32, #tpu.memory_space<vmem>> -> memref<1x512xi32, #tpu.memory_space<vmem>>
    %dma_start3A_421 = tpu.memref_squeeze %dma_start3A_420 : memref<1x512xi32, #tpu.memory_space<vmem>> -> memref<512xi32, #tpu.memory_space<vmem>>
    %dma_start3A_422 = arith.constant 0 : i32
    %dma_start3A_423 = arith.constant 0 : i32
    %dma_start3A_424 = tpu.memref_slice %arg3[%dma_start3A_422, %dma_start3A_423] : memref<1000000x32xf32, #tpu.memory_space<hbm>> -> memref<1000000x32xf32, #tpu.memory_space<hbm>>
    tpu.enqueue_indirect_dma source(%dma_start3A_424 : memref<1000000x32xf32, #tpu.memory_space<hbm>>) target(%dma_start3A_418 : memref<512x32xf32, #tpu.memory_space<vmem>>) offsets(%dma_start3A_421 : memref<512xi32, #tpu.memory_space<vmem>>) semaphore(%arg11 : memref<!tpu.dma_semaphore, #tpu.memory_space<semaphore_mem>>)
    %dma_wait3A_425 = arith.constant 0 : i32
    %dma_wait3A_426 = arith.constant 1 : i32
    %dma_wait3A_427 = arith.constant 0 : i32
    %dma_wait3A_428 = arith.constant 0 : i32
    %dma_wait3A_429 = tpu.memref_slice %arg6[%dma_wait3A_426, %dma_wait3A_427, %dma_wait3A_428] : memref<6x512x32xf32, #tpu.memory_space<vmem>> -> memref<1x512x32xf32, #tpu.memory_space<vmem>>
    %dma_wait3A_430 = tpu.memref_squeeze %dma_wait3A_429 : memref<1x512x32xf32, #tpu.memory_space<vmem>> -> memref<512x32xf32, #tpu.memory_space<vmem>>
    %dma_wait3A_431 = arith.constant 0 : i32
    %dma_wait3A_432 = tpu.memref_slice %arg5[%dma_wait3A_425, %dma_wait3A_431] : memref<50x512xi32, #tpu.memory_space<vmem>> -> memref<1x512xi32, #tpu.memory_space<vmem>>
    %dma_wait3A_433 = tpu.memref_squeeze %dma_wait3A_432 : memref<1x512xi32, #tpu.memory_space<vmem>> -> memref<512xi32, #tpu.memory_space<vmem>>
    %dma_wait3A_434 = arith.constant 0 : i32
    %dma_wait3A_435 = arith.constant 0 : i32
    %dma_wait3A_436 = tpu.memref_slice %arg3[%dma_wait3A_434, %dma_wait3A_435] : memref<1000000x32xf32, #tpu.memory_space<hbm>> -> memref<1000000x32xf32, #tpu.memory_space<hbm>>
    tpu.wait_indirect_dma semaphore(%arg9 : memref<!tpu.dma_semaphore, #tpu.memory_space<semaphore_mem>>) src(%dma_wait3A_436 : memref<1000000x32xf32, #tpu.memory_space<hbm>>) dst(%dma_wait3A_430 : memref<512x32xf32, #tpu.memory_space<vmem>>)
    %add3A_437 = arith.constant 43 : i32
    %add3A_438 = arith.addi %mul3A_2, %add3A_437 : i32
    %dma_start3A_439 = arith.constant 1 : i32
    %dma_start3A_440 = arith.constant 0 : i32
    %dma_start3A_441 = arith.constant 0 : i32
    %dma_start3A_442 = tpu.memref_slice %arg6[%dma_start3A_439, %dma_start3A_440, %dma_start3A_441] : memref<6x512x32xf32, #tpu.memory_space<vmem>> -> memref<1x512x32xf32, #tpu.memory_space<vmem>>
    %dma_start3A_443 = tpu.memref_squeeze %dma_start3A_442 : memref<1x512x32xf32, #tpu.memory_space<vmem>> -> memref<512x32xf32, #tpu.memory_space<vmem>>
    %dma_start3A_444 = arith.constant 0 : i32
    %dma_start3A_445 = arith.constant 0 : i32
    %dma_start3A_446 = tpu.memref_slice %arg4[%add3A_438, %dma_start3A_444, %dma_start3A_445] : memref<1600x512x32xf32, #tpu.memory_space<hbm>> -> memref<1x512x32xf32, #tpu.memory_space<hbm>>
    %dma_start3A_447 = tpu.memref_squeeze %dma_start3A_446 : memref<1x512x32xf32, #tpu.memory_space<hbm>> -> memref<512x32xf32, #tpu.memory_space<hbm>>
    %dma_start3A_448 = arith.constant 0 : i32
    %dma_start3A_449 = arith.constant 0 : i32
    %dma_start3A_450 = tpu.memref_slice %arg4[%add3A_438, %dma_start3A_448, %dma_start3A_449] : memref<1600x512x32xf32, #tpu.memory_space<hbm>> -> memref<1x512x32xf32, #tpu.memory_space<hbm>>
    %dma_start3A_451 = tpu.memref_squeeze %dma_start3A_450 : memref<1x512x32xf32, #tpu.memory_space<hbm>> -> memref<512x32xf32, #tpu.memory_space<hbm>>
    %dma_start3A_452 = arith.constant 0 : i32
    %dma_start3A_453 = arith.constant 0 : i32
    %dma_start3A_454 = tpu.memref_slice %arg6[%dma_start3A_439, %dma_start3A_452, %dma_start3A_453] : memref<6x512x32xf32, #tpu.memory_space<vmem>> -> memref<1x512x32xf32, #tpu.memory_space<vmem>>
    %dma_start3A_455 = tpu.memref_squeeze %dma_start3A_454 : memref<1x512x32xf32, #tpu.memory_space<vmem>> -> memref<512x32xf32, #tpu.memory_space<vmem>>
    tpu.enqueue_dma source(%dma_start3A_455 : memref<512x32xf32, #tpu.memory_space<vmem>>) target(%dma_start3A_451 : memref<512x32xf32, #tpu.memory_space<hbm>>) target_semaphore(%arg15 : memref<!tpu.dma_semaphore, #tpu.memory_space<semaphore_mem>>)
    %dma_wait3A_456 = arith.constant 4 : i32
    %dma_wait3A_457 = arith.constant 0 : i32
    %dma_wait3A_458 = arith.constant 0 : i32
    %dma_wait3A_459 = arith.constant 0 : i32
    %dma_wait3A_460 = tpu.memref_slice %arg6[%dma_wait3A_456, %dma_wait3A_458, %dma_wait3A_459] : memref<6x512x32xf32, #tpu.memory_space<vmem>> -> memref<1x512x32xf32, #tpu.memory_space<vmem>>
    %dma_wait3A_461 = tpu.memref_squeeze %dma_wait3A_460 : memref<1x512x32xf32, #tpu.memory_space<vmem>> -> memref<512x32xf32, #tpu.memory_space<vmem>>
    %dma_wait3A_462 = arith.constant 0 : i32
    %dma_wait3A_463 = arith.constant 0 : i32
    %dma_wait3A_464 = tpu.memref_slice %arg4[%dma_wait3A_457, %dma_wait3A_462, %dma_wait3A_463] : memref<1600x512x32xf32, #tpu.memory_space<hbm>> -> memref<1x512x32xf32, #tpu.memory_space<hbm>>
    %dma_wait3A_465 = tpu.memref_squeeze %dma_wait3A_464 : memref<1x512x32xf32, #tpu.memory_space<hbm>> -> memref<512x32xf32, #tpu.memory_space<hbm>>
    %dma_wait3A_466 = arith.constant 0 : i32
    %dma_wait3A_467 = arith.constant 0 : i32
    %dma_wait3A_468 = tpu.memref_slice %arg4[%dma_wait3A_457, %dma_wait3A_466, %dma_wait3A_467] : memref<1600x512x32xf32, #tpu.memory_space<hbm>> -> memref<1x512x32xf32, #tpu.memory_space<hbm>>
    %dma_wait3A_469 = tpu.memref_squeeze %dma_wait3A_468 : memref<1x512x32xf32, #tpu.memory_space<hbm>> -> memref<512x32xf32, #tpu.memory_space<hbm>>
    %dma_wait3A_470 = arith.constant 0 : i32
    %dma_wait3A_471 = arith.constant 0 : i32
    %dma_wait3A_472 = tpu.memref_slice %arg6[%dma_wait3A_456, %dma_wait3A_470, %dma_wait3A_471] : memref<6x512x32xf32, #tpu.memory_space<vmem>> -> memref<1x512x32xf32, #tpu.memory_space<vmem>>
    %dma_wait3A_473 = tpu.memref_squeeze %dma_wait3A_472 : memref<1x512x32xf32, #tpu.memory_space<vmem>> -> memref<512x32xf32, #tpu.memory_space<vmem>>
    tpu.wait_dma2 semaphore(%arg18 : memref<!tpu.dma_semaphore, #tpu.memory_space<semaphore_mem>>) src(%dma_wait3A_473 : memref<512x32xf32, #tpu.memory_space<vmem>>) dst(%dma_wait3A_469 : memref<512x32xf32, #tpu.memory_space<hbm>>)
    %dma_start3A_474 = arith.constant 46 : i32
    %dma_start3A_475 = arith.constant 4 : i32
    %dma_start3A_476 = arith.constant 0 : i32
    %dma_start3A_477 = arith.constant 0 : i32
    %dma_start3A_478 = tpu.memref_slice %arg6[%dma_start3A_475, %dma_start3A_476, %dma_start3A_477] : memref<6x512x32xf32, #tpu.memory_space<vmem>> -> memref<1x512x32xf32, #tpu.memory_space<vmem>>
    %dma_start3A_479 = tpu.memref_squeeze %dma_start3A_478 : memref<1x512x32xf32, #tpu.memory_space<vmem>> -> memref<512x32xf32, #tpu.memory_space<vmem>>
    %dma_start3A_480 = arith.constant 0 : i32
    %dma_start3A_481 = tpu.memref_slice %arg5[%dma_start3A_474, %dma_start3A_480] : memref<50x512xi32, #tpu.memory_space<vmem>> -> memref<1x512xi32, #tpu.memory_space<vmem>>
    %dma_start3A_482 = tpu.memref_squeeze %dma_start3A_481 : memref<1x512xi32, #tpu.memory_space<vmem>> -> memref<512xi32, #tpu.memory_space<vmem>>
    %dma_start3A_483 = arith.constant 0 : i32
    %dma_start3A_484 = arith.constant 0 : i32
    %dma_start3A_485 = tpu.memref_slice %arg3[%dma_start3A_483, %dma_start3A_484] : memref<1000000x32xf32, #tpu.memory_space<hbm>> -> memref<1000000x32xf32, #tpu.memory_space<hbm>>
    tpu.enqueue_indirect_dma source(%dma_start3A_485 : memref<1000000x32xf32, #tpu.memory_space<hbm>>) target(%dma_start3A_479 : memref<512x32xf32, #tpu.memory_space<vmem>>) offsets(%dma_start3A_482 : memref<512xi32, #tpu.memory_space<vmem>>) semaphore(%arg12 : memref<!tpu.dma_semaphore, #tpu.memory_space<semaphore_mem>>)
    %dma_wait3A_486 = arith.constant 0 : i32
    %dma_wait3A_487 = arith.constant 2 : i32
    %dma_wait3A_488 = arith.constant 0 : i32
    %dma_wait3A_489 = arith.constant 0 : i32
    %dma_wait3A_490 = tpu.memref_slice %arg6[%dma_wait3A_487, %dma_wait3A_488, %dma_wait3A_489] : memref<6x512x32xf32, #tpu.memory_space<vmem>> -> memref<1x512x32xf32, #tpu.memory_space<vmem>>
    %dma_wait3A_491 = tpu.memref_squeeze %dma_wait3A_490 : memref<1x512x32xf32, #tpu.memory_space<vmem>> -> memref<512x32xf32, #tpu.memory_space<vmem>>
    %dma_wait3A_492 = arith.constant 0 : i32
    %dma_wait3A_493 = tpu.memref_slice %arg5[%dma_wait3A_486, %dma_wait3A_492] : memref<50x512xi32, #tpu.memory_space<vmem>> -> memref<1x512xi32, #tpu.memory_space<vmem>>
    %dma_wait3A_494 = tpu.memref_squeeze %dma_wait3A_493 : memref<1x512xi32, #tpu.memory_space<vmem>> -> memref<512xi32, #tpu.memory_space<vmem>>
    %dma_wait3A_495 = arith.constant 0 : i32
    %dma_wait3A_496 = arith.constant 0 : i32
    %dma_wait3A_497 = tpu.memref_slice %arg3[%dma_wait3A_495, %dma_wait3A_496] : memref<1000000x32xf32, #tpu.memory_space<hbm>> -> memref<1000000x32xf32, #tpu.memory_space<hbm>>
    tpu.wait_indirect_dma semaphore(%arg10 : memref<!tpu.dma_semaphore, #tpu.memory_space<semaphore_mem>>) src(%dma_wait3A_497 : memref<1000000x32xf32, #tpu.memory_space<hbm>>) dst(%dma_wait3A_491 : memref<512x32xf32, #tpu.memory_space<vmem>>)
    %add3A_498 = arith.constant 44 : i32
    %add3A_499 = arith.addi %mul3A_2, %add3A_498 : i32
    %dma_start3A_500 = arith.constant 2 : i32
    %dma_start3A_501 = arith.constant 0 : i32
    %dma_start3A_502 = arith.constant 0 : i32
    %dma_start3A_503 = tpu.memref_slice %arg6[%dma_start3A_500, %dma_start3A_501, %dma_start3A_502] : memref<6x512x32xf32, #tpu.memory_space<vmem>> -> memref<1x512x32xf32, #tpu.memory_space<vmem>>
    %dma_start3A_504 = tpu.memref_squeeze %dma_start3A_503 : memref<1x512x32xf32, #tpu.memory_space<vmem>> -> memref<512x32xf32, #tpu.memory_space<vmem>>
    %dma_start3A_505 = arith.constant 0 : i32
    %dma_start3A_506 = arith.constant 0 : i32
    %dma_start3A_507 = tpu.memref_slice %arg4[%add3A_499, %dma_start3A_505, %dma_start3A_506] : memref<1600x512x32xf32, #tpu.memory_space<hbm>> -> memref<1x512x32xf32, #tpu.memory_space<hbm>>
    %dma_start3A_508 = tpu.memref_squeeze %dma_start3A_507 : memref<1x512x32xf32, #tpu.memory_space<hbm>> -> memref<512x32xf32, #tpu.memory_space<hbm>>
    %dma_start3A_509 = arith.constant 0 : i32
    %dma_start3A_510 = arith.constant 0 : i32
    %dma_start3A_511 = tpu.memref_slice %arg4[%add3A_499, %dma_start3A_509, %dma_start3A_510] : memref<1600x512x32xf32, #tpu.memory_space<hbm>> -> memref<1x512x32xf32, #tpu.memory_space<hbm>>
    %dma_start3A_512 = tpu.memref_squeeze %dma_start3A_511 : memref<1x512x32xf32, #tpu.memory_space<hbm>> -> memref<512x32xf32, #tpu.memory_space<hbm>>
    %dma_start3A_513 = arith.constant 0 : i32
    %dma_start3A_514 = arith.constant 0 : i32
    %dma_start3A_515 = tpu.memref_slice %arg6[%dma_start3A_500, %dma_start3A_513, %dma_start3A_514] : memref<6x512x32xf32, #tpu.memory_space<vmem>> -> memref<1x512x32xf32, #tpu.memory_space<vmem>>
    %dma_start3A_516 = tpu.memref_squeeze %dma_start3A_515 : memref<1x512x32xf32, #tpu.memory_space<vmem>> -> memref<512x32xf32, #tpu.memory_space<vmem>>
    tpu.enqueue_dma source(%dma_start3A_516 : memref<512x32xf32, #tpu.memory_space<vmem>>) target(%dma_start3A_512 : memref<512x32xf32, #tpu.memory_space<hbm>>) target_semaphore(%arg16 : memref<!tpu.dma_semaphore, #tpu.memory_space<semaphore_mem>>)
    %dma_wait3A_517 = arith.constant 5 : i32
    %dma_wait3A_518 = arith.constant 0 : i32
    %dma_wait3A_519 = arith.constant 0 : i32
    %dma_wait3A_520 = arith.constant 0 : i32
    %dma_wait3A_521 = tpu.memref_slice %arg6[%dma_wait3A_517, %dma_wait3A_519, %dma_wait3A_520] : memref<6x512x32xf32, #tpu.memory_space<vmem>> -> memref<1x512x32xf32, #tpu.memory_space<vmem>>
    %dma_wait3A_522 = tpu.memref_squeeze %dma_wait3A_521 : memref<1x512x32xf32, #tpu.memory_space<vmem>> -> memref<512x32xf32, #tpu.memory_space<vmem>>
    %dma_wait3A_523 = arith.constant 0 : i32
    %dma_wait3A_524 = arith.constant 0 : i32
    %dma_wait3A_525 = tpu.memref_slice %arg4[%dma_wait3A_518, %dma_wait3A_523, %dma_wait3A_524] : memref<1600x512x32xf32, #tpu.memory_space<hbm>> -> memref<1x512x32xf32, #tpu.memory_space<hbm>>
    %dma_wait3A_526 = tpu.memref_squeeze %dma_wait3A_525 : memref<1x512x32xf32, #tpu.memory_space<hbm>> -> memref<512x32xf32, #tpu.memory_space<hbm>>
    %dma_wait3A_527 = arith.constant 0 : i32
    %dma_wait3A_528 = arith.constant 0 : i32
    %dma_wait3A_529 = tpu.memref_slice %arg4[%dma_wait3A_518, %dma_wait3A_527, %dma_wait3A_528] : memref<1600x512x32xf32, #tpu.memory_space<hbm>> -> memref<1x512x32xf32, #tpu.memory_space<hbm>>
    %dma_wait3A_530 = tpu.memref_squeeze %dma_wait3A_529 : memref<1x512x32xf32, #tpu.memory_space<hbm>> -> memref<512x32xf32, #tpu.memory_space<hbm>>
    %dma_wait3A_531 = arith.constant 0 : i32
    %dma_wait3A_532 = arith.constant 0 : i32
    %dma_wait3A_533 = tpu.memref_slice %arg6[%dma_wait3A_517, %dma_wait3A_531, %dma_wait3A_532] : memref<6x512x32xf32, #tpu.memory_space<vmem>> -> memref<1x512x32xf32, #tpu.memory_space<vmem>>
    %dma_wait3A_534 = tpu.memref_squeeze %dma_wait3A_533 : memref<1x512x32xf32, #tpu.memory_space<vmem>> -> memref<512x32xf32, #tpu.memory_space<vmem>>
    tpu.wait_dma2 semaphore(%arg19 : memref<!tpu.dma_semaphore, #tpu.memory_space<semaphore_mem>>) src(%dma_wait3A_534 : memref<512x32xf32, #tpu.memory_space<vmem>>) dst(%dma_wait3A_530 : memref<512x32xf32, #tpu.memory_space<hbm>>)
    %dma_start3A_535 = arith.constant 47 : i32
    %dma_start3A_536 = arith.constant 5 : i32
    %dma_start3A_537 = arith.constant 0 : i32
    %dma_start3A_538 = arith.constant 0 : i32
    %dma_start3A_539 = tpu.memref_slice %arg6[%dma_start3A_536, %dma_start3A_537, %dma_start3A_538] : memref<6x512x32xf32, #tpu.memory_space<vmem>> -> memref<1x512x32xf32, #tpu.memory_space<vmem>>
    %dma_start3A_540 = tpu.memref_squeeze %dma_start3A_539 : memref<1x512x32xf32, #tpu.memory_space<vmem>> -> memref<512x32xf32, #tpu.memory_space<vmem>>
    %dma_start3A_541 = arith.constant 0 : i32
    %dma_start3A_542 = tpu.memref_slice %arg5[%dma_start3A_535, %dma_start3A_541] : memref<50x512xi32, #tpu.memory_space<vmem>> -> memref<1x512xi32, #tpu.memory_space<vmem>>
    %dma_start3A_543 = tpu.memref_squeeze %dma_start3A_542 : memref<1x512xi32, #tpu.memory_space<vmem>> -> memref<512xi32, #tpu.memory_space<vmem>>
    %dma_start3A_544 = arith.constant 0 : i32
    %dma_start3A_545 = arith.constant 0 : i32
    %dma_start3A_546 = tpu.memref_slice %arg3[%dma_start3A_544, %dma_start3A_545] : memref<1000000x32xf32, #tpu.memory_space<hbm>> -> memref<1000000x32xf32, #tpu.memory_space<hbm>>
    tpu.enqueue_indirect_dma source(%dma_start3A_546 : memref<1000000x32xf32, #tpu.memory_space<hbm>>) target(%dma_start3A_540 : memref<512x32xf32, #tpu.memory_space<vmem>>) offsets(%dma_start3A_543 : memref<512xi32, #tpu.memory_space<vmem>>) semaphore(%arg13 : memref<!tpu.dma_semaphore, #tpu.memory_space<semaphore_mem>>)
    %dma_wait3A_547 = arith.constant 0 : i32
    %dma_wait3A_548 = arith.constant 3 : i32
    %dma_wait3A_549 = arith.constant 0 : i32
    %dma_wait3A_550 = arith.constant 0 : i32
    %dma_wait3A_551 = tpu.memref_slice %arg6[%dma_wait3A_548, %dma_wait3A_549, %dma_wait3A_550] : memref<6x512x32xf32, #tpu.memory_space<vmem>> -> memref<1x512x32xf32, #tpu.memory_space<vmem>>
    %dma_wait3A_552 = tpu.memref_squeeze %dma_wait3A_551 : memref<1x512x32xf32, #tpu.memory_space<vmem>> -> memref<512x32xf32, #tpu.memory_space<vmem>>
    %dma_wait3A_553 = arith.constant 0 : i32
    %dma_wait3A_554 = tpu.memref_slice %arg5[%dma_wait3A_547, %dma_wait3A_553] : memref<50x512xi32, #tpu.memory_space<vmem>> -> memref<1x512xi32, #tpu.memory_space<vmem>>
    %dma_wait3A_555 = tpu.memref_squeeze %dma_wait3A_554 : memref<1x512xi32, #tpu.memory_space<vmem>> -> memref<512xi32, #tpu.memory_space<vmem>>
    %dma_wait3A_556 = arith.constant 0 : i32
    %dma_wait3A_557 = arith.constant 0 : i32
    %dma_wait3A_558 = tpu.memref_slice %arg3[%dma_wait3A_556, %dma_wait3A_557] : memref<1000000x32xf32, #tpu.memory_space<hbm>> -> memref<1000000x32xf32, #tpu.memory_space<hbm>>
    tpu.wait_indirect_dma semaphore(%arg11 : memref<!tpu.dma_semaphore, #tpu.memory_space<semaphore_mem>>) src(%dma_wait3A_558 : memref<1000000x32xf32, #tpu.memory_space<hbm>>) dst(%dma_wait3A_552 : memref<512x32xf32, #tpu.memory_space<vmem>>)
    %add3A_559 = arith.constant 45 : i32
    %add3A_560 = arith.addi %mul3A_2, %add3A_559 : i32
    %dma_start3A_561 = arith.constant 3 : i32
    %dma_start3A_562 = arith.constant 0 : i32
    %dma_start3A_563 = arith.constant 0 : i32
    %dma_start3A_564 = tpu.memref_slice %arg6[%dma_start3A_561, %dma_start3A_562, %dma_start3A_563] : memref<6x512x32xf32, #tpu.memory_space<vmem>> -> memref<1x512x32xf32, #tpu.memory_space<vmem>>
    %dma_start3A_565 = tpu.memref_squeeze %dma_start3A_564 : memref<1x512x32xf32, #tpu.memory_space<vmem>> -> memref<512x32xf32, #tpu.memory_space<vmem>>
    %dma_start3A_566 = arith.constant 0 : i32
    %dma_start3A_567 = arith.constant 0 : i32
    %dma_start3A_568 = tpu.memref_slice %arg4[%add3A_560, %dma_start3A_566, %dma_start3A_567] : memref<1600x512x32xf32, #tpu.memory_space<hbm>> -> memref<1x512x32xf32, #tpu.memory_space<hbm>>
    %dma_start3A_569 = tpu.memref_squeeze %dma_start3A_568 : memref<1x512x32xf32, #tpu.memory_space<hbm>> -> memref<512x32xf32, #tpu.memory_space<hbm>>
    %dma_start3A_570 = arith.constant 0 : i32
    %dma_start3A_571 = arith.constant 0 : i32
    %dma_start3A_572 = tpu.memref_slice %arg4[%add3A_560, %dma_start3A_570, %dma_start3A_571] : memref<1600x512x32xf32, #tpu.memory_space<hbm>> -> memref<1x512x32xf32, #tpu.memory_space<hbm>>
    %dma_start3A_573 = tpu.memref_squeeze %dma_start3A_572 : memref<1x512x32xf32, #tpu.memory_space<hbm>> -> memref<512x32xf32, #tpu.memory_space<hbm>>
    %dma_start3A_574 = arith.constant 0 : i32
    %dma_start3A_575 = arith.constant 0 : i32
    %dma_start3A_576 = tpu.memref_slice %arg6[%dma_start3A_561, %dma_start3A_574, %dma_start3A_575] : memref<6x512x32xf32, #tpu.memory_space<vmem>> -> memref<1x512x32xf32, #tpu.memory_space<vmem>>
    %dma_start3A_577 = tpu.memref_squeeze %dma_start3A_576 : memref<1x512x32xf32, #tpu.memory_space<vmem>> -> memref<512x32xf32, #tpu.memory_space<vmem>>
    tpu.enqueue_dma source(%dma_start3A_577 : memref<512x32xf32, #tpu.memory_space<vmem>>) target(%dma_start3A_573 : memref<512x32xf32, #tpu.memory_space<hbm>>) target_semaphore(%arg17 : memref<!tpu.dma_semaphore, #tpu.memory_space<semaphore_mem>>)
    %dma_wait3A_578 = arith.constant 0 : i32
    %dma_wait3A_579 = arith.constant 0 : i32
    %dma_wait3A_580 = arith.constant 0 : i32
    %dma_wait3A_581 = arith.constant 0 : i32
    %dma_wait3A_582 = tpu.memref_slice %arg6[%dma_wait3A_578, %dma_wait3A_580, %dma_wait3A_581] : memref<6x512x32xf32, #tpu.memory_space<vmem>> -> memref<1x512x32xf32, #tpu.memory_space<vmem>>
    %dma_wait3A_583 = tpu.memref_squeeze %dma_wait3A_582 : memref<1x512x32xf32, #tpu.memory_space<vmem>> -> memref<512x32xf32, #tpu.memory_space<vmem>>
    %dma_wait3A_584 = arith.constant 0 : i32
    %dma_wait3A_585 = arith.constant 0 : i32
    %dma_wait3A_586 = tpu.memref_slice %arg4[%dma_wait3A_579, %dma_wait3A_584, %dma_wait3A_585] : memref<1600x512x32xf32, #tpu.memory_space<hbm>> -> memref<1x512x32xf32, #tpu.memory_space<hbm>>
    %dma_wait3A_587 = tpu.memref_squeeze %dma_wait3A_586 : memref<1x512x32xf32, #tpu.memory_space<hbm>> -> memref<512x32xf32, #tpu.memory_space<hbm>>
    %dma_wait3A_588 = arith.constant 0 : i32
    %dma_wait3A_589 = arith.constant 0 : i32
    %dma_wait3A_590 = tpu.memref_slice %arg4[%dma_wait3A_579, %dma_wait3A_588, %dma_wait3A_589] : memref<1600x512x32xf32, #tpu.memory_space<hbm>> -> memref<1x512x32xf32, #tpu.memory_space<hbm>>
    %dma_wait3A_591 = tpu.memref_squeeze %dma_wait3A_590 : memref<1x512x32xf32, #tpu.memory_space<hbm>> -> memref<512x32xf32, #tpu.memory_space<hbm>>
    %dma_wait3A_592 = arith.constant 0 : i32
    %dma_wait3A_593 = arith.constant 0 : i32
    %dma_wait3A_594 = tpu.memref_slice %arg6[%dma_wait3A_578, %dma_wait3A_592, %dma_wait3A_593] : memref<6x512x32xf32, #tpu.memory_space<vmem>> -> memref<1x512x32xf32, #tpu.memory_space<vmem>>
    %dma_wait3A_595 = tpu.memref_squeeze %dma_wait3A_594 : memref<1x512x32xf32, #tpu.memory_space<vmem>> -> memref<512x32xf32, #tpu.memory_space<vmem>>
    tpu.wait_dma2 semaphore(%arg14 : memref<!tpu.dma_semaphore, #tpu.memory_space<semaphore_mem>>) src(%dma_wait3A_595 : memref<512x32xf32, #tpu.memory_space<vmem>>) dst(%dma_wait3A_591 : memref<512x32xf32, #tpu.memory_space<hbm>>)
    %dma_start3A_596 = arith.constant 48 : i32
    %dma_start3A_597 = arith.constant 0 : i32
    %dma_start3A_598 = arith.constant 0 : i32
    %dma_start3A_599 = arith.constant 0 : i32
    %dma_start3A_600 = tpu.memref_slice %arg6[%dma_start3A_597, %dma_start3A_598, %dma_start3A_599] : memref<6x512x32xf32, #tpu.memory_space<vmem>> -> memref<1x512x32xf32, #tpu.memory_space<vmem>>
    %dma_start3A_601 = tpu.memref_squeeze %dma_start3A_600 : memref<1x512x32xf32, #tpu.memory_space<vmem>> -> memref<512x32xf32, #tpu.memory_space<vmem>>
    %dma_start3A_602 = arith.constant 0 : i32
    %dma_start3A_603 = tpu.memref_slice %arg5[%dma_start3A_596, %dma_start3A_602] : memref<50x512xi32, #tpu.memory_space<vmem>> -> memref<1x512xi32, #tpu.memory_space<vmem>>
    %dma_start3A_604 = tpu.memref_squeeze %dma_start3A_603 : memref<1x512xi32, #tpu.memory_space<vmem>> -> memref<512xi32, #tpu.memory_space<vmem>>
    %dma_start3A_605 = arith.constant 0 : i32
    %dma_start3A_606 = arith.constant 0 : i32
    %dma_start3A_607 = tpu.memref_slice %arg3[%dma_start3A_605, %dma_start3A_606] : memref<1000000x32xf32, #tpu.memory_space<hbm>> -> memref<1000000x32xf32, #tpu.memory_space<hbm>>
    tpu.enqueue_indirect_dma source(%dma_start3A_607 : memref<1000000x32xf32, #tpu.memory_space<hbm>>) target(%dma_start3A_601 : memref<512x32xf32, #tpu.memory_space<vmem>>) offsets(%dma_start3A_604 : memref<512xi32, #tpu.memory_space<vmem>>) semaphore(%arg8 : memref<!tpu.dma_semaphore, #tpu.memory_space<semaphore_mem>>)
    %dma_wait3A_608 = arith.constant 0 : i32
    %dma_wait3A_609 = arith.constant 4 : i32
    %dma_wait3A_610 = arith.constant 0 : i32
    %dma_wait3A_611 = arith.constant 0 : i32
    %dma_wait3A_612 = tpu.memref_slice %arg6[%dma_wait3A_609, %dma_wait3A_610, %dma_wait3A_611] : memref<6x512x32xf32, #tpu.memory_space<vmem>> -> memref<1x512x32xf32, #tpu.memory_space<vmem>>
    %dma_wait3A_613 = tpu.memref_squeeze %dma_wait3A_612 : memref<1x512x32xf32, #tpu.memory_space<vmem>> -> memref<512x32xf32, #tpu.memory_space<vmem>>
    %dma_wait3A_614 = arith.constant 0 : i32
    %dma_wait3A_615 = tpu.memref_slice %arg5[%dma_wait3A_608, %dma_wait3A_614] : memref<50x512xi32, #tpu.memory_space<vmem>> -> memref<1x512xi32, #tpu.memory_space<vmem>>
    %dma_wait3A_616 = tpu.memref_squeeze %dma_wait3A_615 : memref<1x512xi32, #tpu.memory_space<vmem>> -> memref<512xi32, #tpu.memory_space<vmem>>
    %dma_wait3A_617 = arith.constant 0 : i32
    %dma_wait3A_618 = arith.constant 0 : i32
    %dma_wait3A_619 = tpu.memref_slice %arg3[%dma_wait3A_617, %dma_wait3A_618] : memref<1000000x32xf32, #tpu.memory_space<hbm>> -> memref<1000000x32xf32, #tpu.memory_space<hbm>>
    tpu.wait_indirect_dma semaphore(%arg12 : memref<!tpu.dma_semaphore, #tpu.memory_space<semaphore_mem>>) src(%dma_wait3A_619 : memref<1000000x32xf32, #tpu.memory_space<hbm>>) dst(%dma_wait3A_613 : memref<512x32xf32, #tpu.memory_space<vmem>>)
    %add3A_620 = arith.constant 46 : i32
    %add3A_621 = arith.addi %mul3A_2, %add3A_620 : i32
    %dma_start3A_622 = arith.constant 4 : i32
    %dma_start3A_623 = arith.constant 0 : i32
    %dma_start3A_624 = arith.constant 0 : i32
    %dma_start3A_625 = tpu.memref_slice %arg6[%dma_start3A_622, %dma_start3A_623, %dma_start3A_624] : memref<6x512x32xf32, #tpu.memory_space<vmem>> -> memref<1x512x32xf32, #tpu.memory_space<vmem>>
    %dma_start3A_626 = tpu.memref_squeeze %dma_start3A_625 : memref<1x512x32xf32, #tpu.memory_space<vmem>> -> memref<512x32xf32, #tpu.memory_space<vmem>>
    %dma_start3A_627 = arith.constant 0 : i32
    %dma_start3A_628 = arith.constant 0 : i32
    %dma_start3A_629 = tpu.memref_slice %arg4[%add3A_621, %dma_start3A_627, %dma_start3A_628] : memref<1600x512x32xf32, #tpu.memory_space<hbm>> -> memref<1x512x32xf32, #tpu.memory_space<hbm>>
    %dma_start3A_630 = tpu.memref_squeeze %dma_start3A_629 : memref<1x512x32xf32, #tpu.memory_space<hbm>> -> memref<512x32xf32, #tpu.memory_space<hbm>>
    %dma_start3A_631 = arith.constant 0 : i32
    %dma_start3A_632 = arith.constant 0 : i32
    %dma_start3A_633 = tpu.memref_slice %arg4[%add3A_621, %dma_start3A_631, %dma_start3A_632] : memref<1600x512x32xf32, #tpu.memory_space<hbm>> -> memref<1x512x32xf32, #tpu.memory_space<hbm>>
    %dma_start3A_634 = tpu.memref_squeeze %dma_start3A_633 : memref<1x512x32xf32, #tpu.memory_space<hbm>> -> memref<512x32xf32, #tpu.memory_space<hbm>>
    %dma_start3A_635 = arith.constant 0 : i32
    %dma_start3A_636 = arith.constant 0 : i32
    %dma_start3A_637 = tpu.memref_slice %arg6[%dma_start3A_622, %dma_start3A_635, %dma_start3A_636] : memref<6x512x32xf32, #tpu.memory_space<vmem>> -> memref<1x512x32xf32, #tpu.memory_space<vmem>>
    %dma_start3A_638 = tpu.memref_squeeze %dma_start3A_637 : memref<1x512x32xf32, #tpu.memory_space<vmem>> -> memref<512x32xf32, #tpu.memory_space<vmem>>
    tpu.enqueue_dma source(%dma_start3A_638 : memref<512x32xf32, #tpu.memory_space<vmem>>) target(%dma_start3A_634 : memref<512x32xf32, #tpu.memory_space<hbm>>) target_semaphore(%arg18 : memref<!tpu.dma_semaphore, #tpu.memory_space<semaphore_mem>>)
    %dma_wait3A_639 = arith.constant 1 : i32
    %dma_wait3A_640 = arith.constant 0 : i32
    %dma_wait3A_641 = arith.constant 0 : i32
    %dma_wait3A_642 = arith.constant 0 : i32
    %dma_wait3A_643 = tpu.memref_slice %arg6[%dma_wait3A_639, %dma_wait3A_641, %dma_wait3A_642] : memref<6x512x32xf32, #tpu.memory_space<vmem>> -> memref<1x512x32xf32, #tpu.memory_space<vmem>>
    %dma_wait3A_644 = tpu.memref_squeeze %dma_wait3A_643 : memref<1x512x32xf32, #tpu.memory_space<vmem>> -> memref<512x32xf32, #tpu.memory_space<vmem>>
    %dma_wait3A_645 = arith.constant 0 : i32
    %dma_wait3A_646 = arith.constant 0 : i32
    %dma_wait3A_647 = tpu.memref_slice %arg4[%dma_wait3A_640, %dma_wait3A_645, %dma_wait3A_646] : memref<1600x512x32xf32, #tpu.memory_space<hbm>> -> memref<1x512x32xf32, #tpu.memory_space<hbm>>
    %dma_wait3A_648 = tpu.memref_squeeze %dma_wait3A_647 : memref<1x512x32xf32, #tpu.memory_space<hbm>> -> memref<512x32xf32, #tpu.memory_space<hbm>>
    %dma_wait3A_649 = arith.constant 0 : i32
    %dma_wait3A_650 = arith.constant 0 : i32
    %dma_wait3A_651 = tpu.memref_slice %arg4[%dma_wait3A_640, %dma_wait3A_649, %dma_wait3A_650] : memref<1600x512x32xf32, #tpu.memory_space<hbm>> -> memref<1x512x32xf32, #tpu.memory_space<hbm>>
    %dma_wait3A_652 = tpu.memref_squeeze %dma_wait3A_651 : memref<1x512x32xf32, #tpu.memory_space<hbm>> -> memref<512x32xf32, #tpu.memory_space<hbm>>
    %dma_wait3A_653 = arith.constant 0 : i32
    %dma_wait3A_654 = arith.constant 0 : i32
    %dma_wait3A_655 = tpu.memref_slice %arg6[%dma_wait3A_639, %dma_wait3A_653, %dma_wait3A_654] : memref<6x512x32xf32, #tpu.memory_space<vmem>> -> memref<1x512x32xf32, #tpu.memory_space<vmem>>
    %dma_wait3A_656 = tpu.memref_squeeze %dma_wait3A_655 : memref<1x512x32xf32, #tpu.memory_space<vmem>> -> memref<512x32xf32, #tpu.memory_space<vmem>>
    tpu.wait_dma2 semaphore(%arg15 : memref<!tpu.dma_semaphore, #tpu.memory_space<semaphore_mem>>) src(%dma_wait3A_656 : memref<512x32xf32, #tpu.memory_space<vmem>>) dst(%dma_wait3A_652 : memref<512x32xf32, #tpu.memory_space<hbm>>)
    %dma_start3A_657 = arith.constant 49 : i32
    %dma_start3A_658 = arith.constant 1 : i32
    %dma_start3A_659 = arith.constant 0 : i32
    %dma_start3A_660 = arith.constant 0 : i32
    %dma_start3A_661 = tpu.memref_slice %arg6[%dma_start3A_658, %dma_start3A_659, %dma_start3A_660] : memref<6x512x32xf32, #tpu.memory_space<vmem>> -> memref<1x512x32xf32, #tpu.memory_space<vmem>>
    %dma_start3A_662 = tpu.memref_squeeze %dma_start3A_661 : memref<1x512x32xf32, #tpu.memory_space<vmem>> -> memref<512x32xf32, #tpu.memory_space<vmem>>
    %dma_start3A_663 = arith.constant 0 : i32
    %dma_start3A_664 = tpu.memref_slice %arg5[%dma_start3A_657, %dma_start3A_663] : memref<50x512xi32, #tpu.memory_space<vmem>> -> memref<1x512xi32, #tpu.memory_space<vmem>>
    %dma_start3A_665 = tpu.memref_squeeze %dma_start3A_664 : memref<1x512xi32, #tpu.memory_space<vmem>> -> memref<512xi32, #tpu.memory_space<vmem>>
    %dma_start3A_666 = arith.constant 0 : i32
    %dma_start3A_667 = arith.constant 0 : i32
    %dma_start3A_668 = tpu.memref_slice %arg3[%dma_start3A_666, %dma_start3A_667] : memref<1000000x32xf32, #tpu.memory_space<hbm>> -> memref<1000000x32xf32, #tpu.memory_space<hbm>>
    tpu.enqueue_indirect_dma source(%dma_start3A_668 : memref<1000000x32xf32, #tpu.memory_space<hbm>>) target(%dma_start3A_662 : memref<512x32xf32, #tpu.memory_space<vmem>>) offsets(%dma_start3A_665 : memref<512xi32, #tpu.memory_space<vmem>>) semaphore(%arg9 : memref<!tpu.dma_semaphore, #tpu.memory_space<semaphore_mem>>)
    %dma_wait3A_669 = arith.constant 0 : i32
    %dma_wait3A_670 = arith.constant 5 : i32
    %dma_wait3A_671 = arith.constant 0 : i32
    %dma_wait3A_672 = arith.constant 0 : i32
    %dma_wait3A_673 = tpu.memref_slice %arg6[%dma_wait3A_670, %dma_wait3A_671, %dma_wait3A_672] : memref<6x512x32xf32, #tpu.memory_space<vmem>> -> memref<1x512x32xf32, #tpu.memory_space<vmem>>
    %dma_wait3A_674 = tpu.memref_squeeze %dma_wait3A_673 : memref<1x512x32xf32, #tpu.memory_space<vmem>> -> memref<512x32xf32, #tpu.memory_space<vmem>>
    %dma_wait3A_675 = arith.constant 0 : i32
    %dma_wait3A_676 = tpu.memref_slice %arg5[%dma_wait3A_669, %dma_wait3A_675] : memref<50x512xi32, #tpu.memory_space<vmem>> -> memref<1x512xi32, #tpu.memory_space<vmem>>
    %dma_wait3A_677 = tpu.memref_squeeze %dma_wait3A_676 : memref<1x512xi32, #tpu.memory_space<vmem>> -> memref<512xi32, #tpu.memory_space<vmem>>
    %dma_wait3A_678 = arith.constant 0 : i32
    %dma_wait3A_679 = arith.constant 0 : i32
    %dma_wait3A_680 = tpu.memref_slice %arg3[%dma_wait3A_678, %dma_wait3A_679] : memref<1000000x32xf32, #tpu.memory_space<hbm>> -> memref<1000000x32xf32, #tpu.memory_space<hbm>>
    tpu.wait_indirect_dma semaphore(%arg13 : memref<!tpu.dma_semaphore, #tpu.memory_space<semaphore_mem>>) src(%dma_wait3A_680 : memref<1000000x32xf32, #tpu.memory_space<hbm>>) dst(%dma_wait3A_674 : memref<512x32xf32, #tpu.memory_space<vmem>>)
    %add3A_681 = arith.constant 47 : i32
    %add3A_682 = arith.addi %mul3A_2, %add3A_681 : i32
    %dma_start3A_683 = arith.constant 5 : i32
    %dma_start3A_684 = arith.constant 0 : i32
    %dma_start3A_685 = arith.constant 0 : i32
    %dma_start3A_686 = tpu.memref_slice %arg6[%dma_start3A_683, %dma_start3A_684, %dma_start3A_685] : memref<6x512x32xf32, #tpu.memory_space<vmem>> -> memref<1x512x32xf32, #tpu.memory_space<vmem>>
    %dma_start3A_687 = tpu.memref_squeeze %dma_start3A_686 : memref<1x512x32xf32, #tpu.memory_space<vmem>> -> memref<512x32xf32, #tpu.memory_space<vmem>>
    %dma_start3A_688 = arith.constant 0 : i32
    %dma_start3A_689 = arith.constant 0 : i32
    %dma_start3A_690 = tpu.memref_slice %arg4[%add3A_682, %dma_start3A_688, %dma_start3A_689] : memref<1600x512x32xf32, #tpu.memory_space<hbm>> -> memref<1x512x32xf32, #tpu.memory_space<hbm>>
    %dma_start3A_691 = tpu.memref_squeeze %dma_start3A_690 : memref<1x512x32xf32, #tpu.memory_space<hbm>> -> memref<512x32xf32, #tpu.memory_space<hbm>>
    %dma_start3A_692 = arith.constant 0 : i32
    %dma_start3A_693 = arith.constant 0 : i32
    %dma_start3A_694 = tpu.memref_slice %arg4[%add3A_682, %dma_start3A_692, %dma_start3A_693] : memref<1600x512x32xf32, #tpu.memory_space<hbm>> -> memref<1x512x32xf32, #tpu.memory_space<hbm>>
    %dma_start3A_695 = tpu.memref_squeeze %dma_start3A_694 : memref<1x512x32xf32, #tpu.memory_space<hbm>> -> memref<512x32xf32, #tpu.memory_space<hbm>>
    %dma_start3A_696 = arith.constant 0 : i32
    %dma_start3A_697 = arith.constant 0 : i32
    %dma_start3A_698 = tpu.memref_slice %arg6[%dma_start3A_683, %dma_start3A_696, %dma_start3A_697] : memref<6x512x32xf32, #tpu.memory_space<vmem>> -> memref<1x512x32xf32, #tpu.memory_space<vmem>>
    %dma_start3A_699 = tpu.memref_squeeze %dma_start3A_698 : memref<1x512x32xf32, #tpu.memory_space<vmem>> -> memref<512x32xf32, #tpu.memory_space<vmem>>
    tpu.enqueue_dma source(%dma_start3A_699 : memref<512x32xf32, #tpu.memory_space<vmem>>) target(%dma_start3A_695 : memref<512x32xf32, #tpu.memory_space<hbm>>) target_semaphore(%arg19 : memref<!tpu.dma_semaphore, #tpu.memory_space<semaphore_mem>>)
    %dma_wait3A_700 = arith.constant 0 : i32
    %dma_wait3A_701 = arith.constant 0 : i32
    %dma_wait3A_702 = arith.constant 0 : i32
    %dma_wait3A_703 = arith.constant 0 : i32
    %dma_wait3A_704 = tpu.memref_slice %arg6[%dma_wait3A_701, %dma_wait3A_702, %dma_wait3A_703] : memref<6x512x32xf32, #tpu.memory_space<vmem>> -> memref<1x512x32xf32, #tpu.memory_space<vmem>>
    %dma_wait3A_705 = tpu.memref_squeeze %dma_wait3A_704 : memref<1x512x32xf32, #tpu.memory_space<vmem>> -> memref<512x32xf32, #tpu.memory_space<vmem>>
    %dma_wait3A_706 = arith.constant 0 : i32
    %dma_wait3A_707 = tpu.memref_slice %arg5[%dma_wait3A_700, %dma_wait3A_706] : memref<50x512xi32, #tpu.memory_space<vmem>> -> memref<1x512xi32, #tpu.memory_space<vmem>>
    %dma_wait3A_708 = tpu.memref_squeeze %dma_wait3A_707 : memref<1x512xi32, #tpu.memory_space<vmem>> -> memref<512xi32, #tpu.memory_space<vmem>>
    %dma_wait3A_709 = arith.constant 0 : i32
    %dma_wait3A_710 = arith.constant 0 : i32
    %dma_wait3A_711 = tpu.memref_slice %arg3[%dma_wait3A_709, %dma_wait3A_710] : memref<1000000x32xf32, #tpu.memory_space<hbm>> -> memref<1000000x32xf32, #tpu.memory_space<hbm>>
    tpu.wait_indirect_dma semaphore(%arg8 : memref<!tpu.dma_semaphore, #tpu.memory_space<semaphore_mem>>) src(%dma_wait3A_711 : memref<1000000x32xf32, #tpu.memory_space<hbm>>) dst(%dma_wait3A_705 : memref<512x32xf32, #tpu.memory_space<vmem>>)
    %add3A_712 = arith.constant 48 : i32
    %add3A_713 = arith.addi %mul3A_2, %add3A_712 : i32
    %dma_start3A_714 = arith.constant 0 : i32
    %dma_start3A_715 = arith.constant 0 : i32
    %dma_start3A_716 = arith.constant 0 : i32
    %dma_start3A_717 = tpu.memref_slice %arg6[%dma_start3A_714, %dma_start3A_715, %dma_start3A_716] : memref<6x512x32xf32, #tpu.memory_space<vmem>> -> memref<1x512x32xf32, #tpu.memory_space<vmem>>
    %dma_start3A_718 = tpu.memref_squeeze %dma_start3A_717 : memref<1x512x32xf32, #tpu.memory_space<vmem>> -> memref<512x32xf32, #tpu.memory_space<vmem>>
    %dma_start3A_719 = arith.constant 0 : i32
    %dma_start3A_720 = arith.constant 0 : i32
    %dma_start3A_721 = tpu.memref_slice %arg4[%add3A_713, %dma_start3A_719, %dma_start3A_720] : memref<1600x512x32xf32, #tpu.memory_space<hbm>> -> memref<1x512x32xf32, #tpu.memory_space<hbm>>
    %dma_start3A_722 = tpu.memref_squeeze %dma_start3A_721 : memref<1x512x32xf32, #tpu.memory_space<hbm>> -> memref<512x32xf32, #tpu.memory_space<hbm>>
    %dma_start3A_723 = arith.constant 0 : i32
    %dma_start3A_724 = arith.constant 0 : i32
    %dma_start3A_725 = tpu.memref_slice %arg4[%add3A_713, %dma_start3A_723, %dma_start3A_724] : memref<1600x512x32xf32, #tpu.memory_space<hbm>> -> memref<1x512x32xf32, #tpu.memory_space<hbm>>
    %dma_start3A_726 = tpu.memref_squeeze %dma_start3A_725 : memref<1x512x32xf32, #tpu.memory_space<hbm>> -> memref<512x32xf32, #tpu.memory_space<hbm>>
    %dma_start3A_727 = arith.constant 0 : i32
    %dma_start3A_728 = arith.constant 0 : i32
    %dma_start3A_729 = tpu.memref_slice %arg6[%dma_start3A_714, %dma_start3A_727, %dma_start3A_728] : memref<6x512x32xf32, #tpu.memory_space<vmem>> -> memref<1x512x32xf32, #tpu.memory_space<vmem>>
    %dma_start3A_730 = tpu.memref_squeeze %dma_start3A_729 : memref<1x512x32xf32, #tpu.memory_space<vmem>> -> memref<512x32xf32, #tpu.memory_space<vmem>>
    tpu.enqueue_dma source(%dma_start3A_730 : memref<512x32xf32, #tpu.memory_space<vmem>>) target(%dma_start3A_726 : memref<512x32xf32, #tpu.memory_space<hbm>>) target_semaphore(%arg14 : memref<!tpu.dma_semaphore, #tpu.memory_space<semaphore_mem>>)
    %dma_wait3A_731 = arith.constant 0 : i32
    %dma_wait3A_732 = arith.constant 1 : i32
    %dma_wait3A_733 = arith.constant 0 : i32
    %dma_wait3A_734 = arith.constant 0 : i32
    %dma_wait3A_735 = tpu.memref_slice %arg6[%dma_wait3A_732, %dma_wait3A_733, %dma_wait3A_734] : memref<6x512x32xf32, #tpu.memory_space<vmem>> -> memref<1x512x32xf32, #tpu.memory_space<vmem>>
    %dma_wait3A_736 = tpu.memref_squeeze %dma_wait3A_735 : memref<1x512x32xf32, #tpu.memory_space<vmem>> -> memref<512x32xf32, #tpu.memory_space<vmem>>
    %dma_wait3A_737 = arith.constant 0 : i32
    %dma_wait3A_738 = tpu.memref_slice %arg5[%dma_wait3A_731, %dma_wait3A_737] : memref<50x512xi32, #tpu.memory_space<vmem>> -> memref<1x512xi32, #tpu.memory_space<vmem>>
    %dma_wait3A_739 = tpu.memref_squeeze %dma_wait3A_738 : memref<1x512xi32, #tpu.memory_space<vmem>> -> memref<512xi32, #tpu.memory_space<vmem>>
    %dma_wait3A_740 = arith.constant 0 : i32
    %dma_wait3A_741 = arith.constant 0 : i32
    %dma_wait3A_742 = tpu.memref_slice %arg3[%dma_wait3A_740, %dma_wait3A_741] : memref<1000000x32xf32, #tpu.memory_space<hbm>> -> memref<1000000x32xf32, #tpu.memory_space<hbm>>
    tpu.wait_indirect_dma semaphore(%arg9 : memref<!tpu.dma_semaphore, #tpu.memory_space<semaphore_mem>>) src(%dma_wait3A_742 : memref<1000000x32xf32, #tpu.memory_space<hbm>>) dst(%dma_wait3A_736 : memref<512x32xf32, #tpu.memory_space<vmem>>)
    %add3A_743 = arith.constant 49 : i32
    %add3A_744 = arith.addi %mul3A_2, %add3A_743 : i32
    %dma_start3A_745 = arith.constant 1 : i32
    %dma_start3A_746 = arith.constant 0 : i32
    %dma_start3A_747 = arith.constant 0 : i32
    %dma_start3A_748 = tpu.memref_slice %arg6[%dma_start3A_745, %dma_start3A_746, %dma_start3A_747] : memref<6x512x32xf32, #tpu.memory_space<vmem>> -> memref<1x512x32xf32, #tpu.memory_space<vmem>>
    %dma_start3A_749 = tpu.memref_squeeze %dma_start3A_748 : memref<1x512x32xf32, #tpu.memory_space<vmem>> -> memref<512x32xf32, #tpu.memory_space<vmem>>
    %dma_start3A_750 = arith.constant 0 : i32
    %dma_start3A_751 = arith.constant 0 : i32
    %dma_start3A_752 = tpu.memref_slice %arg4[%add3A_744, %dma_start3A_750, %dma_start3A_751] : memref<1600x512x32xf32, #tpu.memory_space<hbm>> -> memref<1x512x32xf32, #tpu.memory_space<hbm>>
    %dma_start3A_753 = tpu.memref_squeeze %dma_start3A_752 : memref<1x512x32xf32, #tpu.memory_space<hbm>> -> memref<512x32xf32, #tpu.memory_space<hbm>>
    %dma_start3A_754 = arith.constant 0 : i32
    %dma_start3A_755 = arith.constant 0 : i32
    %dma_start3A_756 = tpu.memref_slice %arg4[%add3A_744, %dma_start3A_754, %dma_start3A_755] : memref<1600x512x32xf32, #tpu.memory_space<hbm>> -> memref<1x512x32xf32, #tpu.memory_space<hbm>>
    %dma_start3A_757 = tpu.memref_squeeze %dma_start3A_756 : memref<1x512x32xf32, #tpu.memory_space<hbm>> -> memref<512x32xf32, #tpu.memory_space<hbm>>
    %dma_start3A_758 = arith.constant 0 : i32
    %dma_start3A_759 = arith.constant 0 : i32
    %dma_start3A_760 = tpu.memref_slice %arg6[%dma_start3A_745, %dma_start3A_758, %dma_start3A_759] : memref<6x512x32xf32, #tpu.memory_space<vmem>> -> memref<1x512x32xf32, #tpu.memory_space<vmem>>
    %dma_start3A_761 = tpu.memref_squeeze %dma_start3A_760 : memref<1x512x32xf32, #tpu.memory_space<vmem>> -> memref<512x32xf32, #tpu.memory_space<vmem>>
    tpu.enqueue_dma source(%dma_start3A_761 : memref<512x32xf32, #tpu.memory_space<vmem>>) target(%dma_start3A_757 : memref<512x32xf32, #tpu.memory_space<hbm>>) target_semaphore(%arg15 : memref<!tpu.dma_semaphore, #tpu.memory_space<semaphore_mem>>)
    %dma_wait3A_762 = arith.constant 2 : i32
    %dma_wait3A_763 = arith.constant 0 : i32
    %dma_wait3A_764 = arith.constant 0 : i32
    %dma_wait3A_765 = arith.constant 0 : i32
    %dma_wait3A_766 = tpu.memref_slice %arg6[%dma_wait3A_762, %dma_wait3A_764, %dma_wait3A_765] : memref<6x512x32xf32, #tpu.memory_space<vmem>> -> memref<1x512x32xf32, #tpu.memory_space<vmem>>
    %dma_wait3A_767 = tpu.memref_squeeze %dma_wait3A_766 : memref<1x512x32xf32, #tpu.memory_space<vmem>> -> memref<512x32xf32, #tpu.memory_space<vmem>>
    %dma_wait3A_768 = arith.constant 0 : i32
    %dma_wait3A_769 = arith.constant 0 : i32
    %dma_wait3A_770 = tpu.memref_slice %arg4[%dma_wait3A_763, %dma_wait3A_768, %dma_wait3A_769] : memref<1600x512x32xf32, #tpu.memory_space<hbm>> -> memref<1x512x32xf32, #tpu.memory_space<hbm>>
    %dma_wait3A_771 = tpu.memref_squeeze %dma_wait3A_770 : memref<1x512x32xf32, #tpu.memory_space<hbm>> -> memref<512x32xf32, #tpu.memory_space<hbm>>
    %dma_wait3A_772 = arith.constant 0 : i32
    %dma_wait3A_773 = arith.constant 0 : i32
    %dma_wait3A_774 = tpu.memref_slice %arg4[%dma_wait3A_763, %dma_wait3A_772, %dma_wait3A_773] : memref<1600x512x32xf32, #tpu.memory_space<hbm>> -> memref<1x512x32xf32, #tpu.memory_space<hbm>>
    %dma_wait3A_775 = tpu.memref_squeeze %dma_wait3A_774 : memref<1x512x32xf32, #tpu.memory_space<hbm>> -> memref<512x32xf32, #tpu.memory_space<hbm>>
    %dma_wait3A_776 = arith.constant 0 : i32
    %dma_wait3A_777 = arith.constant 0 : i32
    %dma_wait3A_778 = tpu.memref_slice %arg6[%dma_wait3A_762, %dma_wait3A_776, %dma_wait3A_777] : memref<6x512x32xf32, #tpu.memory_space<vmem>> -> memref<1x512x32xf32, #tpu.memory_space<vmem>>
    %dma_wait3A_779 = tpu.memref_squeeze %dma_wait3A_778 : memref<1x512x32xf32, #tpu.memory_space<vmem>> -> memref<512x32xf32, #tpu.memory_space<vmem>>
    tpu.wait_dma2 semaphore(%arg16 : memref<!tpu.dma_semaphore, #tpu.memory_space<semaphore_mem>>) src(%dma_wait3A_779 : memref<512x32xf32, #tpu.memory_space<vmem>>) dst(%dma_wait3A_775 : memref<512x32xf32, #tpu.memory_space<hbm>>)
    %dma_wait3A_780 = arith.constant 3 : i32
    %dma_wait3A_781 = arith.constant 0 : i32
    %dma_wait3A_782 = arith.constant 0 : i32
    %dma_wait3A_783 = arith.constant 0 : i32
    %dma_wait3A_784 = tpu.memref_slice %arg6[%dma_wait3A_780, %dma_wait3A_782, %dma_wait3A_783] : memref<6x512x32xf32, #tpu.memory_space<vmem>> -> memref<1x512x32xf32, #tpu.memory_space<vmem>>
    %dma_wait3A_785 = tpu.memref_squeeze %dma_wait3A_784 : memref<1x512x32xf32, #tpu.memory_space<vmem>> -> memref<512x32xf32, #tpu.memory_space<vmem>>
    %dma_wait3A_786 = arith.constant 0 : i32
    %dma_wait3A_787 = arith.constant 0 : i32
    %dma_wait3A_788 = tpu.memref_slice %arg4[%dma_wait3A_781, %dma_wait3A_786, %dma_wait3A_787] : memref<1600x512x32xf32, #tpu.memory_space<hbm>> -> memref<1x512x32xf32, #tpu.memory_space<hbm>>
    %dma_wait3A_789 = tpu.memref_squeeze %dma_wait3A_788 : memref<1x512x32xf32, #tpu.memory_space<hbm>> -> memref<512x32xf32, #tpu.memory_space<hbm>>
    %dma_wait3A_790 = arith.constant 0 : i32
    %dma_wait3A_791 = arith.constant 0 : i32
    %dma_wait3A_792 = tpu.memref_slice %arg4[%dma_wait3A_781, %dma_wait3A_790, %dma_wait3A_791] : memref<1600x512x32xf32, #tpu.memory_space<hbm>> -> memref<1x512x32xf32, #tpu.memory_space<hbm>>
    %dma_wait3A_793 = tpu.memref_squeeze %dma_wait3A_792 : memref<1x512x32xf32, #tpu.memory_space<hbm>> -> memref<512x32xf32, #tpu.memory_space<hbm>>
    %dma_wait3A_794 = arith.constant 0 : i32
    %dma_wait3A_795 = arith.constant 0 : i32
    %dma_wait3A_796 = tpu.memref_slice %arg6[%dma_wait3A_780, %dma_wait3A_794, %dma_wait3A_795] : memref<6x512x32xf32, #tpu.memory_space<vmem>> -> memref<1x512x32xf32, #tpu.memory_space<vmem>>
    %dma_wait3A_797 = tpu.memref_squeeze %dma_wait3A_796 : memref<1x512x32xf32, #tpu.memory_space<vmem>> -> memref<512x32xf32, #tpu.memory_space<vmem>>
    tpu.wait_dma2 semaphore(%arg17 : memref<!tpu.dma_semaphore, #tpu.memory_space<semaphore_mem>>) src(%dma_wait3A_797 : memref<512x32xf32, #tpu.memory_space<vmem>>) dst(%dma_wait3A_793 : memref<512x32xf32, #tpu.memory_space<hbm>>)
    %dma_wait3A_798 = arith.constant 4 : i32
    %dma_wait3A_799 = arith.constant 0 : i32
    %dma_wait3A_800 = arith.constant 0 : i32
    %dma_wait3A_801 = arith.constant 0 : i32
    %dma_wait3A_802 = tpu.memref_slice %arg6[%dma_wait3A_798, %dma_wait3A_800, %dma_wait3A_801] : memref<6x512x32xf32, #tpu.memory_space<vmem>> -> memref<1x512x32xf32, #tpu.memory_space<vmem>>
    %dma_wait3A_803 = tpu.memref_squeeze %dma_wait3A_802 : memref<1x512x32xf32, #tpu.memory_space<vmem>> -> memref<512x32xf32, #tpu.memory_space<vmem>>
    %dma_wait3A_804 = arith.constant 0 : i32
    %dma_wait3A_805 = arith.constant 0 : i32
    %dma_wait3A_806 = tpu.memref_slice %arg4[%dma_wait3A_799, %dma_wait3A_804, %dma_wait3A_805] : memref<1600x512x32xf32, #tpu.memory_space<hbm>> -> memref<1x512x32xf32, #tpu.memory_space<hbm>>
    %dma_wait3A_807 = tpu.memref_squeeze %dma_wait3A_806 : memref<1x512x32xf32, #tpu.memory_space<hbm>> -> memref<512x32xf32, #tpu.memory_space<hbm>>
    %dma_wait3A_808 = arith.constant 0 : i32
    %dma_wait3A_809 = arith.constant 0 : i32
    %dma_wait3A_810 = tpu.memref_slice %arg4[%dma_wait3A_799, %dma_wait3A_808, %dma_wait3A_809] : memref<1600x512x32xf32, #tpu.memory_space<hbm>> -> memref<1x512x32xf32, #tpu.memory_space<hbm>>
    %dma_wait3A_811 = tpu.memref_squeeze %dma_wait3A_810 : memref<1x512x32xf32, #tpu.memory_space<hbm>> -> memref<512x32xf32, #tpu.memory_space<hbm>>
    %dma_wait3A_812 = arith.constant 0 : i32
    %dma_wait3A_813 = arith.constant 0 : i32
    %dma_wait3A_814 = tpu.memref_slice %arg6[%dma_wait3A_798, %dma_wait3A_812, %dma_wait3A_813] : memref<6x512x32xf32, #tpu.memory_space<vmem>> -> memref<1x512x32xf32, #tpu.memory_space<vmem>>
    %dma_wait3A_815 = tpu.memref_squeeze %dma_wait3A_814 : memref<1x512x32xf32, #tpu.memory_space<vmem>> -> memref<512x32xf32, #tpu.memory_space<vmem>>
    tpu.wait_dma2 semaphore(%arg18 : memref<!tpu.dma_semaphore, #tpu.memory_space<semaphore_mem>>) src(%dma_wait3A_815 : memref<512x32xf32, #tpu.memory_space<vmem>>) dst(%dma_wait3A_811 : memref<512x32xf32, #tpu.memory_space<hbm>>)
    %dma_wait3A_816 = arith.constant 5 : i32
    %dma_wait3A_817 = arith.constant 0 : i32
    %dma_wait3A_818 = arith.constant 0 : i32
    %dma_wait3A_819 = arith.constant 0 : i32
    %dma_wait3A_820 = tpu.memref_slice %arg6[%dma_wait3A_816, %dma_wait3A_818, %dma_wait3A_819] : memref<6x512x32xf32, #tpu.memory_space<vmem>> -> memref<1x512x32xf32, #tpu.memory_space<vmem>>
    %dma_wait3A_821 = tpu.memref_squeeze %dma_wait3A_820 : memref<1x512x32xf32, #tpu.memory_space<vmem>> -> memref<512x32xf32, #tpu.memory_space<vmem>>
    %dma_wait3A_822 = arith.constant 0 : i32
    %dma_wait3A_823 = arith.constant 0 : i32
    %dma_wait3A_824 = tpu.memref_slice %arg4[%dma_wait3A_817, %dma_wait3A_822, %dma_wait3A_823] : memref<1600x512x32xf32, #tpu.memory_space<hbm>> -> memref<1x512x32xf32, #tpu.memory_space<hbm>>
    %dma_wait3A_825 = tpu.memref_squeeze %dma_wait3A_824 : memref<1x512x32xf32, #tpu.memory_space<hbm>> -> memref<512x32xf32, #tpu.memory_space<hbm>>
    %dma_wait3A_826 = arith.constant 0 : i32
    %dma_wait3A_827 = arith.constant 0 : i32
    %dma_wait3A_828 = tpu.memref_slice %arg4[%dma_wait3A_817, %dma_wait3A_826, %dma_wait3A_827] : memref<1600x512x32xf32, #tpu.memory_space<hbm>> -> memref<1x512x32xf32, #tpu.memory_space<hbm>>
    %dma_wait3A_829 = tpu.memref_squeeze %dma_wait3A_828 : memref<1x512x32xf32, #tpu.memory_space<hbm>> -> memref<512x32xf32, #tpu.memory_space<hbm>>
    %dma_wait3A_830 = arith.constant 0 : i32
    %dma_wait3A_831 = arith.constant 0 : i32
    %dma_wait3A_832 = tpu.memref_slice %arg6[%dma_wait3A_816, %dma_wait3A_830, %dma_wait3A_831] : memref<6x512x32xf32, #tpu.memory_space<vmem>> -> memref<1x512x32xf32, #tpu.memory_space<vmem>>
    %dma_wait3A_833 = tpu.memref_squeeze %dma_wait3A_832 : memref<1x512x32xf32, #tpu.memory_space<vmem>> -> memref<512x32xf32, #tpu.memory_space<vmem>>
    tpu.wait_dma2 semaphore(%arg19 : memref<!tpu.dma_semaphore, #tpu.memory_space<semaphore_mem>>) src(%dma_wait3A_833 : memref<512x32xf32, #tpu.memory_space<vmem>>) dst(%dma_wait3A_829 : memref<512x32xf32, #tpu.memory_space<hbm>>)
    %dma_wait3A_834 = arith.constant 0 : i32
    %dma_wait3A_835 = arith.constant 0 : i32
    %dma_wait3A_836 = arith.constant 0 : i32
    %dma_wait3A_837 = arith.constant 0 : i32
    %dma_wait3A_838 = tpu.memref_slice %arg6[%dma_wait3A_834, %dma_wait3A_836, %dma_wait3A_837] : memref<6x512x32xf32, #tpu.memory_space<vmem>> -> memref<1x512x32xf32, #tpu.memory_space<vmem>>
    %dma_wait3A_839 = tpu.memref_squeeze %dma_wait3A_838 : memref<1x512x32xf32, #tpu.memory_space<vmem>> -> memref<512x32xf32, #tpu.memory_space<vmem>>
    %dma_wait3A_840 = arith.constant 0 : i32
    %dma_wait3A_841 = arith.constant 0 : i32
    %dma_wait3A_842 = tpu.memref_slice %arg4[%dma_wait3A_835, %dma_wait3A_840, %dma_wait3A_841] : memref<1600x512x32xf32, #tpu.memory_space<hbm>> -> memref<1x512x32xf32, #tpu.memory_space<hbm>>
    %dma_wait3A_843 = tpu.memref_squeeze %dma_wait3A_842 : memref<1x512x32xf32, #tpu.memory_space<hbm>> -> memref<512x32xf32, #tpu.memory_space<hbm>>
    %dma_wait3A_844 = arith.constant 0 : i32
    %dma_wait3A_845 = arith.constant 0 : i32
    %dma_wait3A_846 = tpu.memref_slice %arg4[%dma_wait3A_835, %dma_wait3A_844, %dma_wait3A_845] : memref<1600x512x32xf32, #tpu.memory_space<hbm>> -> memref<1x512x32xf32, #tpu.memory_space<hbm>>
    %dma_wait3A_847 = tpu.memref_squeeze %dma_wait3A_846 : memref<1x512x32xf32, #tpu.memory_space<hbm>> -> memref<512x32xf32, #tpu.memory_space<hbm>>
    %dma_wait3A_848 = arith.constant 0 : i32
    %dma_wait3A_849 = arith.constant 0 : i32
    %dma_wait3A_850 = tpu.memref_slice %arg6[%dma_wait3A_834, %dma_wait3A_848, %dma_wait3A_849] : memref<6x512x32xf32, #tpu.memory_space<vmem>> -> memref<1x512x32xf32, #tpu.memory_space<vmem>>
    %dma_wait3A_851 = tpu.memref_squeeze %dma_wait3A_850 : memref<1x512x32xf32, #tpu.memory_space<vmem>> -> memref<512x32xf32, #tpu.memory_space<vmem>>
    tpu.wait_dma2 semaphore(%arg14 : memref<!tpu.dma_semaphore, #tpu.memory_space<semaphore_mem>>) src(%dma_wait3A_851 : memref<512x32xf32, #tpu.memory_space<vmem>>) dst(%dma_wait3A_847 : memref<512x32xf32, #tpu.memory_space<hbm>>)
    %dma_wait3A_852 = arith.constant 1 : i32
    %dma_wait3A_853 = arith.constant 0 : i32
    %dma_wait3A_854 = arith.constant 0 : i32
    %dma_wait3A_855 = arith.constant 0 : i32
    %dma_wait3A_856 = tpu.memref_slice %arg6[%dma_wait3A_852, %dma_wait3A_854, %dma_wait3A_855] : memref<6x512x32xf32, #tpu.memory_space<vmem>> -> memref<1x512x32xf32, #tpu.memory_space<vmem>>
    %dma_wait3A_857 = tpu.memref_squeeze %dma_wait3A_856 : memref<1x512x32xf32, #tpu.memory_space<vmem>> -> memref<512x32xf32, #tpu.memory_space<vmem>>
    %dma_wait3A_858 = arith.constant 0 : i32
    %dma_wait3A_859 = arith.constant 0 : i32
    %dma_wait3A_860 = tpu.memref_slice %arg4[%dma_wait3A_853, %dma_wait3A_858, %dma_wait3A_859] : memref<1600x512x32xf32, #tpu.memory_space<hbm>> -> memref<1x512x32xf32, #tpu.memory_space<hbm>>
    %dma_wait3A_861 = tpu.memref_squeeze %dma_wait3A_860 : memref<1x512x32xf32, #tpu.memory_space<hbm>> -> memref<512x32xf32, #tpu.memory_space<hbm>>
    %dma_wait3A_862 = arith.constant 0 : i32
    %dma_wait3A_863 = arith.constant 0 : i32
    %dma_wait3A_864 = tpu.memref_slice %arg4[%dma_wait3A_853, %dma_wait3A_862, %dma_wait3A_863] : memref<1600x512x32xf32, #tpu.memory_space<hbm>> -> memref<1x512x32xf32, #tpu.memory_space<hbm>>
    %dma_wait3A_865 = tpu.memref_squeeze %dma_wait3A_864 : memref<1x512x32xf32, #tpu.memory_space<hbm>> -> memref<512x32xf32, #tpu.memory_space<hbm>>
    %dma_wait3A_866 = arith.constant 0 : i32
    %dma_wait3A_867 = arith.constant 0 : i32
    %dma_wait3A_868 = tpu.memref_slice %arg6[%dma_wait3A_852, %dma_wait3A_866, %dma_wait3A_867] : memref<6x512x32xf32, #tpu.memory_space<vmem>> -> memref<1x512x32xf32, #tpu.memory_space<vmem>>
    %dma_wait3A_869 = tpu.memref_squeeze %dma_wait3A_868 : memref<1x512x32xf32, #tpu.memory_space<vmem>> -> memref<512x32xf32, #tpu.memory_space<vmem>>
    tpu.wait_dma2 semaphore(%arg15 : memref<!tpu.dma_semaphore, #tpu.memory_space<semaphore_mem>>) src(%dma_wait3A_869 : memref<512x32xf32, #tpu.memory_space<vmem>>) dst(%dma_wait3A_865 : memref<512x32xf32, #tpu.memory_space<hbm>>)
    return
  }
}

</mosaic_0001>

<sc_bundles>
// kernel: _emb_lookup.3.cloned.1.call-start
scs
__scs_entry_jumppad:
0x0: {  	(pc) =	sbr.rel $0x88, $3  }
0x1: {  	(tag) =	ssettag $0x0;
	lr =	simm.s32 $0x1  }
0x2: {  	[smem:$0x3F9F] =	sst lr;
	_ =	strace $0xD0000000  }
0x3: {  	_ = 	snop  }
0x4: {  	_ = 	snop  }
0x5: {  	_ = 	snop  }
0x6: {  	_ = 	snop  }
0x7: {  	_ = 	snop  }
__scs_overlays_trampoline_lowered:
0x8: {  	[smem:$0x3FAE] =	sst s0  }
0x9: {  	[smem:$0x3FAF] =	sst s1  }
0xa: {  	[smem:$0x3FB0] =	sst s2  }
0xb: {  	[smem:$0x3FB1] =	sst s3  }
0xc: {  	[smem:$0x3FB2] =	sst s4  }
0xd: {  	[smem:$0x3FB3] =	sst s5  }
0xe: {  	[smem:$0x3FB4] =	sst s6  }
0xf: {  	[smem:$0x3FB5] =	sst s7  }
0x10: {  	[smem:$0x3FB6] =	sst s8  }
0x11: {  	[smem:$0x3FB7] =	sst s9;
	s0 =	simm.s32 @!p0 $0x0  }
0x12: {  	s1 =	sld [smem:$0x3F9D];
	s0 =	simm.s32 @p0 $0x1  }
0x13: {  	[smem:$0x3FB8] =	sst s0;
	s0 =	simm.s32 @!p1 $0x0  }
0x14: {  	s2 =	sld [smem:$0x3F9C];
	s0 =	simm.s32 @p1 $0x1  }
0x15: {  	[smem:$0x3FB9] =	sst s0;
	s0 =	simm.s32 @!p2 $0x0  }
0x16: {  	s3 =	sld [smem:$0x3FDB];
	s0 =	simm.s32 @p2 $0x1  }
0x17: {  	s4 =	simm.s32 $0x1BF5;
	[smem:$0x3FBB] =	sst s0  }
0x18: {  	s0 =	sld [smem:$0x3F9E];
	_ =	swait.ge [sflag:s4], $0x0  }
0x19: {  	s7 =	sld [smem:$0x3F9F]  }
0x1a: {  	s8 =	sadd.s32 $0xFFFFE003, lr  }
0x1b: {  	s9 =	sadd.s32 $0xFFFFFEF7, lr;
	s5 =	simm.s32 $0xFFFFFFFF;
	p2 =	slt.u32 s8, $0xFFFFF086  }
0x1c: {  	p1 =	slt.u32 s9, $0xF7A;
	s5 =	simm.s32 @!p2 $0x0  }
0x1d: {  	s5 =	simm.s32 @p1 $0x1;
	p0 =	seq.s32 s7, s2  }
0x1e: {  	s7 =	smul.u32 @!p0 $0xF7A, s2;
	p2 =	seq.s32 @!p0 s5, $0x0  }
0x1f: {  	s9 =	smul.u32 $0xF7A, s1;
	s8 =	simm.s32 @!p0 $0x1BF5;
	p2 =	por !p2, p0  }
0x20: {  	[sflag:s8] =	ssyncset.s32 @!p0 $0xFFFFF086;
	s6 =	sadd.s32 @!p0 s3, s7;
	s7 =	simm.s32 @!p0 $0x108  }
0x21: {  	s3 =	sadd.s32 s3, s9;
	s6 =	sadd.s32 @!p0 $0x88, s6;
	s7 =	simm.s32 @p2 $0x1082  }
0x22: {  	[simem:s7], [sflag:s8] =	dma.local @!p0 [hbm:s6], $0xF7A  }
0x23: {  	s9 =	sor.u32 $0xD0000000, s2;
	s6 =	simm.s32 $0x108;
	_ =	swait.ge @!p0 [sflag:s8], $0x0  }
0x24: {  	s3 =	sadd.s32 $0x88, s3;
	s6 =	simm.s32 @!p1 $0x1082;
	[sflag:s4] =	ssyncset.s32 $0xFFFFF086  }
0x25: {  	[simem:s6], [sflag:s4] =	dma.local [hbm:s3], $0xF7A  }
0x26: {  	[smem:$0x3F9F] =	sst s1;
	(tag) =	ssettag s2;
	_ =	strace s9  }
0x27: {  	s1 =	sld [smem:$0x3FAF]  }
0x28: {  	s2 =	sld [smem:$0x3FB0]  }
0x29: {  	s4 =	sld [smem:$0x3FB2]  }
0x2a: {  	p0 =	seq.s32 s5, $0x0;
	s5 =	sld [smem:$0x3FB3]  }
0x2b: {  	s6 =	sld [smem:$0x3FB4]  }
0x2c: {  	s7 =	sld [smem:$0x3FB5]  }
0x2d: {  	s3 =	simm.s32 $0x108;
	s8 =	sld [smem:$0x3FB6]  }
0x2e: {  	s3 =	simm.s32 @!p0 $0x1082;
	s9 =	sld [smem:$0x3FB7]  }
0x2f: {  	lr =	sadd.s32 s0, s3;
	s0 =	sld [smem:$0x3FAE]  }
0x30: {  	s3 =	sld [smem:$0x3FB1]  }
0x31: {  	[smem:$0x3FBA] =	sst s10  }
0x32: {  	s10 =	sld [smem:$0x3FB8];
	_ =	sdelay $0x3  }
0x33: {  	p0 =	seq.s32 s10, $0x1;
	s10 =	sld [smem:$0x3FBA];
	_ =	sdelay $0x3  }
0x34: {  	[smem:$0x3FBA] =	sst s10  }
0x35: {  	s10 =	sld [smem:$0x3FB9];
	_ =	sdelay $0x3  }
0x36: {  	p1 =	seq.s32 s10, $0x1;
	s10 =	sld [smem:$0x3FBA];
	_ =	sdelay $0x3  }
0x37: {  	[smem:$0x3FBA] =	sst s10  }
0x38: {  	s10 =	sld [smem:$0x3FBB]  }
0x39: {  	_ = 	snop;
	(pc) =	sbr.ind lr, $3  }
0x3a: {  	_ = 	snop  }
0x3b: {  	_ = 	snop  }
0x3c: {  	p2 =	seq.s32 s10, $0x1;
	s10 =	sld [smem:$0x3FBA]  }
0x3d: {  	_ =	shalt  }
0x3e: {  	_ =	shalt  }
0x3f: {  	_ =	shalt  }
0x40: {  	_ =	shalt  }
0x41: {  	_ =	shalt  }
0x42: {  	_ =	shalt  }
0x43: {  	_ =	shalt  }
0x44: {  	_ =	shalt  }
0x45: {  	_ =	shalt  }
0x46: {  	_ =	shalt  }
0x47: {  	_ =	shalt  }
0x48: {  	_ =	shalt  }
0x49: {  	_ =	shalt  }
0x4a: {  	_ =	shalt  }
0x4b: {  	_ =	shalt  }
0x4c: {  	_ =	shalt  }
0x4d: {  	_ =	shalt  }
0x4e: {  	_ =	shalt  }
0x4f: {  	_ =	shalt  }
0x50: {  	_ =	shalt  }
0x51: {  	_ =	shalt  }
0x52: {  	_ =	shalt  }
0x53: {  	_ =	shalt  }
0x54: {  	_ =	shalt  }
0x55: {  	_ =	shalt  }
0x56: {  	_ =	shalt  }
0x57: {  	_ =	shalt  }
0x58: {  	_ =	shalt  }
0x59: {  	_ =	shalt  }
0x5a: {  	_ =	shalt  }
0x5b: {  	_ =	shalt  }
0x5c: {  	_ =	shalt  }
0x5d: {  	_ =	shalt  }
0x5e: {  	_ =	shalt  }
0x5f: {  	_ =	shalt  }
0x60: {  	_ =	shalt  }
0x61: {  	_ =	shalt  }
0x62: {  	_ =	shalt  }
0x63: {  	_ =	shalt  }
0x64: {  	_ =	shalt  }
0x65: {  	_ =	shalt  }
0x66: {  	_ =	shalt  }
0x67: {  	_ =	shalt  }
0x68: {  	_ =	shalt  }
0x69: {  	_ =	shalt  }
0x6a: {  	_ =	shalt  }
0x6b: {  	_ =	shalt  }
0x6c: {  	_ =	shalt  }
0x6d: {  	_ =	shalt  }
0x6e: {  	_ =	shalt  }
0x6f: {  	_ =	shalt  }
0x70: {  	_ =	shalt  }
0x71: {  	_ =	shalt  }
0x72: {  	_ =	shalt  }
0x73: {  	_ =	shalt  }
0x74: {  	_ =	shalt  }
0x75: {  	_ =	shalt  }
0x76: {  	_ =	shalt  }
0x77: {  	_ =	shalt  }
0x78: {  	_ =	shalt  }
0x79: {  	_ =	shalt  }
0x7a: {  	_ =	shalt  }
0x7b: {  	_ =	shalt  }
0x7c: {  	_ =	shalt  }
0x7d: {  	_ =	shalt  }
0x7e: {  	_ =	shalt  }
0x7f: {  	_ =	shalt  }
0x80: {  	_ =	shalt  }
0x81: {  	_ =	shalt  }
0x82: {  	_ =	shalt  }
0x83: {  	_ =	shalt  }
0x84: {  	_ =	shalt  }
0x85: {  	_ =	shalt  }
0x86: {  	_ =	shalt  }
0x87: {  	_ =	shalt  }
.Lfunc_end0:
.L_simem_size_0:
called_computation.1_lowered:
.L_overlay_start_0:
0x88: {  	s2 =	sld [smem:$0x3FD9]  }
0x89: {  	s3 =	sld [smem:$0x3FFE];
	_ =	sdelay $0x1  }
0x8a: {  	s1 =	srdreg.scid  }
0x8b: {  	s0 =	sand.u32 $0x1, s1  }
0x8c: {  	s17 =	sshll.u32 s0, $0xA;
	s2 =	sadd.s32 s3, s2  }
0x8d: {  	s2 =	sadd.s32 s2, s17  }
0x8e: {  	[smem:$0x3FC6] =	sst s2  }
0x8f: {  	_ = 	snop  }
0x90: {  	s2 =	sld [smem:$0x3FD0];
	(tm) =	ssettm $0x1  }
0x91: {  	s18 =	sld [smem:$0x3FFB];
	_ =	sdelay $0x3  }
0x92: {  	_ =	strace s18  }
0x93: {  	s3 =	sld [smem:$0x3FFC];
	_ =	sdelay $0x3  }
0x94: {  	_ =	strace s3  }
0x95: {  	s3 =	sld [smem:$0x3FFD];
	_ =	sdelay $0x3  }
0x96: {  	_ =	strace s3  }
0x97: {  	_ =	strace $0x8FFFFFFF  }
0x98: {  	s19 =	sld [smem:$0x3FDB];
	_ =	sdelay $0x1  }
0x99: {  	s4 =	simm.s32 $_scs_section_size  }
0x9a: {  	s5 =	simm.s32 $_size__tile_overlayer_lowered;
	s6 =	simm.s32 $_tile_overlayer_lowered  }
0x9b: {  	s22 =	simm.s32 $0x1BFF;
	s21 =	sshll.u32 s6, $0x1;
	s3 =	sadd.s32 s4, s19  }
0x9c: {  	s7 =	simm.s32 $0x0;
	s20 =	sshll.u32 s5, $0x1;
	s5 =	sadd.s32 s21, s3  }
0x9d: {  	[timem:s7], [sflag:s22] =	dma.local [hbm:s5], s20  }
0x9e: {  	_ =	swait.ge [sflag:s22], s20  }
0x9f: {  	s4 =	ssub.s32 $0x0, s20;
	[sflag:s22] =	ssyncset.done $0x0  }
0xa0: {  	[sflag:s22] =	ssyncadd.s32 s4;
	_ =	sdelay $0x1  }
0xa1: {  	s23 =	simm.s32 $0x1B8B  }
0xa2: {  	_ =	swait.ge [sflag:s23], $0x1  }
0xa3: {  	[sflag:s23] =	ssyncset.done $0x0  }
0xa4: {  	s25 =	simm.s32 $0x1B8E;
	s24 =	sld [smem:$0x3FFE];
	[sflag:s23] =	ssyncadd.s32 $0xFFFFFFFF  }
0xa5: {  	s26 =	simm.s32 $execute0_lowered;
	[smem:$0x3FD2] =	sst s25  }
0xa6: {  	s5 =	sshll.u32 s26, $0x1;
	_ =	strace $0x80000046;
	[dreg:$0x1] =	wrdreg $0xFFFFFFFF  }
0xa7: {  	s28 =	simm.s32 $_size_execute0_lowered;
	s3 =	sadd.s32 s3, s5;
	[dreg:$0x0] =	wrdreg $0x0  }
0xa8: {  	s5 =	sshll.u32 s28, $0x1;
	[dreg:$0x2] =	wrdreg s3  }
0xa9: {  	[dreg:$0x3] =	wrdreg s5  }
0xaa: {  	[dreg:$0x4] =	wrdreg $0xC0  }
0xab: {  	_ =	task [dreg:s7], $0x5FFFF  }
0xac: {  	[dreg:$0x1] =	wrdreg $0xFFFFFFFF  }
0xad: {  	[dreg:$0x0] =	wrdreg $0x60  }
0xae: {  	[dreg:$0x2] =	wrdreg s24  }
0xaf: {  	[dreg:$0x3] =	wrdreg s2  }
0xb0: {  	[dreg:$0x4] =	wrdreg $0x9  }
0xb1: {  	_ =	task.clear_ibuf [dreg:s7], $0x5FFFF;
	_ =	strace $0x90000046  }
0xb2: {  	s29 =	simm.s32 $0x9;
	_ =	strace $0x80000048  }
0xb3: {  	_ =	swait.ge [sflag:s29], $0x1  }
0xb4: {  	[sflag:s29] =	ssyncadd.s32 $0xFFFFFFFF  }
0xb5: {  	_ =	strace $0x90000048  }
0xb6: {  	_ =	sfence  }
0xb7: {  	s30 =	sld [smem:$0x0];
	_ =	sdelay $0x2  }
0xb8: {  	s31 =	sshll.u32 s1, $0xD;
	s1 =	sshrl.u32 s1, $0x2  }
0xb9: {  	s3 =	sand.u32 $0x4000, s31;
	s1 =	sadd.s32 s1, s30  }
0xba: {  	s0 =	sor.u32 s3, s0;
	s1 =	sshll.u32 s1, $0x11  }
0xbb: {  	s0 =	sor.u32 s1, s0  }
0xbc: {  	s0 =	sadd.s32 $0x8F2B, s0  }
0xbd: {  	[sflag:s0] =	ssyncadd.remote.s32 $0x1  }
0xbe: {  	_ =	sfence.sel $0xFFFF  }
0xbf: {  	[dreg:$0x0] =	wrdreg $0xFFFFFFFF;
	(pc) =	sbr.abs _section_cstart, $3  }
0xc0: {  	[dreg:$0x1] =	wrdreg $0xFFFFFFFF  }
0xc1: {  	_ =	task.clear_ibuf [dreg:s7], $0x2FFFF;
	_ =	strace $0x9FFFFFFF  }
0xc2: {  	(tm) =	ssettm $0x7FFFFFFF  }
0xc3: {  	_ =	shalt  }
tec
execute0_lowered:
.L_overlay_start_1:
0x0: {  	(tag) =	ssettag $0x1  }
0x1: {  	s0 =	rddreg [dreg:$0x0];
	s1 =	srdreg.scid  }
0x2: {  	s10 =	stileid.u32;
	s4 =	rddreg [dreg:$0x1]  }
0x3: {  	s2 =	simm.s32 $0x0;
	s29 =	simm.s32 $0x12400;
	s30 =	simm.s32 $0x3  }
0x4: {  	s1 =	sand.u32 $0x1, s1;
	s3 =	sshll.u32 s10, $0x1;
	s26 =	smul.u32 $0x64, s10  }
0x5: {  	s3 =	sor.u32 s1, s3;
	s6 =	ssub.s32 $0x2, s1;
	s1 =	smul.u32 $0x32, s1  }
0x6: {  	s28 =	simm.s32 $0x1A400;
	s31 =	simm.s32 $0x5;
	s5 =	smul.u32 $0xC80, s3  }
0x7: {  	[smem:$0x7FF] =	sst s2;
	s12 =	sadd.s32 $0x800, s4;
	s7 =	smul.u32 $0x19000, s3  }
0x8: {  	_ =	strace $0x80000047;
	s8 =	sshrl.u32 s6, $0x1;
	s9 =	smul.u32 $0xC8000, s3  }
0x9: {  	s3 =	sadd.s32 $0xF42E00, s0;
	s5 =	sadd.s32 s5, s0;
	s11 =	sadd.s32 s4, s7  }
0xa: {  	s10 =	sshrl.u32 s9, $0x3;
	s5 =	sadd.s32 $0xA00, s5;
	[dreg:$0xa] =	wrdreg s11  }
0xb: {  	s7 =	sadd.s32 s7, s12;
	[dreg:$0x9] =	wrdreg s5;
	s5 =	sadd.s32 s4, s10  }
0xc: {  	s1 =	sadd.s32 s1, s26;
	[dreg:$0xb] =	wrdreg s7;
	s13 =	sadd.s32 $0x1000, s5  }
0xd: {  	s0 =	ssub.s32 s6, s8;
	s14 =	sadd.s32 $0x1800, s5;
	[dreg:$0xc] =	wrdreg s13  }
0xe: {  	s1 =	sshll.u32 s1, $0xB;
	s15 =	sadd.s32 $0x2000, s5;
	[dreg:$0xd] =	wrdreg s14  }
0xf: {  	s6 =	simm.s32 $0x7;
	s16 =	sadd.s32 $0x2800, s5;
	[dreg:$0xe] =	wrdreg s15  }
0x10: {  	s8 =	simm.s32 $0xB;
	s17 =	sadd.s32 $0x15000, s5;
	[dreg:$0xf] =	wrdreg s16  }
0x11: {  	s9 =	simm.s32 $0xC;
	s18 =	sadd.s32 $0x15800, s5;
	[dreg:$0x10] =	wrdreg s17  }
0x12: {  	s4 =	sadd.s32 s4, s1;
	s20 =	sadd.s32 $0x16000, s5;
	[dreg:$0x11] =	wrdreg s18  }
0x13: {  	s7 =	simm.s32 $0xA;
	s19 =	sadd.s32 $0x4000, s4;
	[dreg:$0x12] =	wrdreg s20  }
0x14: {  	s1 =	sadd.s32 s12, s1;
	s22 =	sadd.s32 $0x16800, s5;
	[dreg:$0x3] =	wrdreg s19  }
0x15: {  	s11 =	simm.s32 $0x0;
	s21 =	sadd.s32 $0x3000, s1;
	[dreg:$0x13] =	wrdreg s22  }
0x16: {  	s10 =	simm.s32 $0xD;
	s24 =	sadd.s32 $0x17000, s5;
	[dreg:$0x4] =	wrdreg s21  }
0x17: {  	s23 =	sadd.s32 $0x5000, s1;
	s25 =	sadd.s32 $0x5000, s4;
	[dreg:$0x14] =	wrdreg s24  }
0x18: {  	s1 =	sadd.s32 $0x4000, s1;
	s26 =	sadd.s32 $0x3000, s4;
	[dreg:$0x5] =	wrdreg s23  }
0x19: {  	s4 =	simm.s32 $0x6;
	s16 =	sadd.s32 $0x17800, s5;
	[dreg:$0x6] =	wrdreg s25  }
0x1a: {  	s17 =	sadd.s32 $0x18000, s5;
	[dreg:$0x7] =	wrdreg s1;
	s18 =	sadd.s32 $0x18800, s5  }
0x1b: {  	s19 =	smax.u32 s0, $0x1;
	[dreg:$0x8] =	wrdreg s26;
	s20 =	simm.s32 $0x1  }
0x1c: {  	s21 =	simm.s32 $0x200;
	s22 =	simm.s32 $0x6400;
	s23 =	simm.s32 $0xA400  }
0x1d: {  	s25 =	simm.s32 $0xE400;
	s26 =	simm.s32 $0x2;
	s1 =	simm.s32 $0x16400  }
0x1e: {  	s0 =	simm.s32 $0x4;
	s24 =	simm.s32 $0x8;
	s5 =	simm.s32 $0x9  }
.LBB2_1:
0x1f: {  	s12 =	rddreg [dreg:$0x9]  }
0x20: {  	[tilespmem:s2], [sflag:$0x1] =	stream.linear.gather [hbm4b:s12+s2], $0x6400, $0x38;
	[tilespmem:$0x1E400] =	vst v63  }
0x21: {  	_ =	swait.ge [sflag:s20], $0x6400  }
0x22: {  	[sflag:s20] =	ssyncset.done $0x0  }
0x23: {  	[sflag:s20] =	ssyncadd.s32 $0xFFFF9C00  }
0x24: {  	[tilespmem:s22], [sflag:$0x2] =	stream.indirect.gather [hbm4b:s3+s21], $0x20, s2, s21, $0xb8;
	[tilespmem:$0x1E400] =	vst v63  }
0x25: {  	_ = 	snop  }
0x26: {  	[tilespmem:s23], [sflag:$0x3] =	stream.indirect.gather [hbm4b:s3+s21], $0x20, s21, s21, $0xb8;
	[tilespmem:$0x1E400] =	vst v63  }
0x27: {  	s13 =	simm.s32 $0x400  }
0x28: {  	[tilespmem:s25], [sflag:$0x4] =	stream.indirect.gather [hbm4b:s3+s21], $0x20, s13, s21, $0xb8;
	[tilespmem:$0x1E400] =	vst v63  }
0x29: {  	_ =	swait.ge [sflag:s26], $0x4000  }
0x2a: {  	[sflag:s26] =	ssyncset.done $0x0  }
0x2b: {  	s14 =	rddreg [dreg:$0xa];
	[sflag:s26] =	ssyncadd.s32 $0xFFFFC000  }
0x2c: {  	[hbm4b:s14+s2] =	stream.linear.scatter [tilespmem:s22], [sflag:$0x8], $0x4000, $0x38;
	[tilespmem:$0x1E400] =	vst v63  }
0x2d: {  	s15 =	simm.s32 $0x600  }
0x2e: {  	[tilespmem:s29], [sflag:$0x5] =	stream.indirect.gather [hbm4b:s3+s21], $0x20, s15, s21, $0xb8;
	[tilespmem:$0x1E400] =	vst v63  }
0x2f: {  	_ =	swait.ge [sflag:s30], $0x4000  }
0x30: {  	[sflag:s30] =	ssyncset.done $0x0  }
0x31: {  	s13 =	rddreg [dreg:$0xb];
	[sflag:s30] =	ssyncadd.s32 $0xFFFFC000  }
0x32: {  	[hbm4b:s13+s2] =	stream.linear.scatter [tilespmem:s23], [sflag:$0x9], $0x4000, $0x38;
	[tilespmem:$0x1E400] =	vst v63  }
0x33: {  	s14 =	simm.s32 $0x800  }
0x34: {  	[tilespmem:s1], [sflag:$0x6] =	stream.indirect.gather [hbm4b:s3+s21], $0x20, s14, s21, $0xb8;
	[tilespmem:$0x1E400] =	vst v63  }
0x35: {  	_ =	swait.ge [sflag:s0], $0x4000  }
0x36: {  	[sflag:s0] =	ssyncset.done $0x0  }
0x37: {  	s15 =	rddreg [dreg:$0xc];
	[sflag:s0] =	ssyncadd.s32 $0xFFFFC000  }
0x38: {  	[hbm4b:s15+s2] =	stream.linear.scatter [tilespmem:s25], [sflag:$0xA], $0x4000, $0x38;
	[tilespmem:$0x1E400] =	vst v63  }
0x39: {  	s13 =	simm.s32 $0xA00  }
0x3a: {  	[tilespmem:s28], [sflag:$0x7] =	stream.indirect.gather [hbm4b:s3+s21], $0x20, s13, s21, $0xb8;
	[tilespmem:$0x1E400] =	vst v63  }
0x3b: {  	_ =	swait.ge [sflag:s31], $0x4000  }
0x3c: {  	[sflag:s31] =	ssyncset.done $0x0  }
0x3d: {  	s14 =	rddreg [dreg:$0xd];
	[sflag:s31] =	ssyncadd.s32 $0xFFFFC000  }
0x3e: {  	[hbm4b:s14+s2] =	stream.linear.scatter [tilespmem:s29], [sflag:$0xB], $0x4000, $0x38;
	[tilespmem:$0x1E400] =	vst v63  }
0x3f: {  	_ =	swait.ge [sflag:s24], $0x4000  }
0x40: {  	[sflag:s24] =	ssyncset.done $0x0  }
0x41: {  	s15 =	simm.s32 $0xC00;
	[sflag:s24] =	ssyncadd.s32 $0xFFFFC000  }
0x42: {  	[tilespmem:s22], [sflag:$0x2] =	stream.indirect.gather [hbm4b:s3+s21], $0x20, s15, s21, $0xb8;
	[tilespmem:$0x1E400] =	vst v63  }
0x43: {  	_ =	swait.ge [sflag:s4], $0x4000  }
0x44: {  	[sflag:s4] =	ssyncset.done $0x0  }
0x45: {  	s13 =	rddreg [dreg:$0xe];
	[sflag:s4] =	ssyncadd.s32 $0xFFFFC000  }
0x46: {  	[hbm4b:s13+s2] =	stream.linear.scatter [tilespmem:s1], [sflag:$0xC], $0x4000, $0x38;
	[tilespmem:$0x1E400] =	vst v63  }
0x47: {  	_ =	swait.ge [sflag:s5], $0x4000  }
0x48: {  	[sflag:s5] =	ssyncset.done $0x0  }
0x49: {  	s14 =	simm.s32 $0xE00;
	[sflag:s5] =	ssyncadd.s32 $0xFFFFC000  }
0x4a: {  	[tilespmem:s23], [sflag:$0x3] =	stream.indirect.gather [hbm4b:s3+s21], $0x20, s14, s21, $0xb8;
	[tilespmem:$0x1E400] =	vst v63  }
0x4b: {  	_ =	swait.ge [sflag:s6], $0x4000  }
0x4c: {  	[sflag:s6] =	ssyncset.done $0x0  }
0x4d: {  	s15 =	rddreg [dreg:$0xf];
	[sflag:s6] =	ssyncadd.s32 $0xFFFFC000  }
0x4e: {  	[hbm4b:s15+s2] =	stream.linear.scatter [tilespmem:s28], [sflag:$0xD], $0x4000, $0x38;
	[tilespmem:$0x1E400] =	vst v63  }
0x4f: {  	_ =	swait.ge [sflag:s7], $0x4000  }
0x50: {  	[sflag:s7] =	ssyncset.done $0x0  }
0x51: {  	s13 =	simm.s32 $0x1000;
	[sflag:s7] =	ssyncadd.s32 $0xFFFFC000  }
0x52: {  	[tilespmem:s25], [sflag:$0x4] =	stream.indirect.gather [hbm4b:s3+s21], $0x20, s13, s21, $0xb8;
	[tilespmem:$0x1E400] =	vst v63  }
0x53: {  	_ =	swait.ge [sflag:s26], $0x4000  }
0x54: {  	s14 =	rddreg [dreg:$0x8];
	[sflag:s26] =	ssyncset.done $0x0  }
0x55: {  	[sflag:s26] =	ssyncadd.s32 $0xFFFFC000;
	s12 =	sadd.s32 $0x0, s14  }
0x56: {  	[hbm4b:s12+s2] =	stream.linear.scatter [tilespmem:s22], [sflag:$0x8], $0x4000, $0x38;
	[tilespmem:$0x1E400] =	vst v63  }
0x57: {  	_ =	swait.ge [sflag:s8], $0x4000  }
0x58: {  	[sflag:s8] =	ssyncset.done $0x0  }
0x59: {  	s15 =	simm.s32 $0x1200;
	[sflag:s8] =	ssyncadd.s32 $0xFFFFC000  }
0x5a: {  	[tilespmem:s29], [sflag:$0x5] =	stream.indirect.gather [hbm4b:s3+s21], $0x20, s15, s21, $0xb8;
	[tilespmem:$0x1E400] =	vst v63  }
0x5b: {  	_ =	swait.ge [sflag:s30], $0x4000  }
0x5c: {  	s13 =	rddreg [dreg:$0x4];
	[sflag:s30] =	ssyncset.done $0x0  }
0x5d: {  	[sflag:s30] =	ssyncadd.s32 $0xFFFFC000;
	s12 =	sadd.s32 $0x0, s13  }
0x5e: {  	[hbm4b:s12+s2] =	stream.linear.scatter [tilespmem:s23], [sflag:$0x9], $0x4000, $0x38;
	[tilespmem:$0x1E400] =	vst v63  }
0x5f: {  	_ =	swait.ge [sflag:s9], $0x4000  }
0x60: {  	[sflag:s9] =	ssyncset.done $0x0  }
0x61: {  	s14 =	simm.s32 $0x1400;
	[sflag:s9] =	ssyncadd.s32 $0xFFFFC000  }
0x62: {  	[tilespmem:s1], [sflag:$0x6] =	stream.indirect.gather [hbm4b:s3+s21], $0x20, s14, s21, $0xb8;
	[tilespmem:$0x1E400] =	vst v63  }
0x63: {  	_ =	swait.ge [sflag:s0], $0x4000  }
0x64: {  	s15 =	rddreg [dreg:$0x3];
	[sflag:s0] =	ssyncset.done $0x0  }
0x65: {  	[sflag:s0] =	ssyncadd.s32 $0xFFFFC000;
	s12 =	sadd.s32 $0x0, s15  }
0x66: {  	[hbm4b:s12+s2] =	stream.linear.scatter [tilespmem:s25], [sflag:$0xA], $0x4000, $0x38;
	[tilespmem:$0x1E400] =	vst v63  }
0x67: {  	_ =	swait.ge [sflag:s10], $0x4000  }
0x68: {  	[sflag:s10] =	ssyncset.done $0x0  }
0x69: {  	s13 =	simm.s32 $0x1600;
	[sflag:s10] =	ssyncadd.s32 $0xFFFFC000  }
0x6a: {  	[tilespmem:s28], [sflag:$0x7] =	stream.indirect.gather [hbm4b:s3+s21], $0x20, s13, s21, $0xb8;
	[tilespmem:$0x1E400] =	vst v63  }
0x6b: {  	_ =	swait.ge [sflag:s31], $0x4000  }
0x6c: {  	s14 =	rddreg [dreg:$0x7];
	[sflag:s31] =	ssyncset.done $0x0  }
0x6d: {  	[sflag:s31] =	ssyncadd.s32 $0xFFFFC000;
	s12 =	sadd.s32 $0x0, s14  }
0x6e: {  	[hbm4b:s12+s2] =	stream.linear.scatter [tilespmem:s29], [sflag:$0xB], $0x4000, $0x38;
	[tilespmem:$0x1E400] =	vst v63  }
0x6f: {  	_ =	swait.ge [sflag:s24], $0x4000  }
0x70: {  	[sflag:s24] =	ssyncset.done $0x0  }
0x71: {  	s15 =	simm.s32 $0x1800;
	[sflag:s24] =	ssyncadd.s32 $0xFFFFC000  }
0x72: {  	[tilespmem:s22], [sflag:$0x2] =	stream.indirect.gather [hbm4b:s3+s21], $0x20, s15, s21, $0xb8;
	[tilespmem:$0x1E400] =	vst v63  }
0x73: {  	_ =	swait.ge [sflag:s4], $0x4000  }
0x74: {  	s13 =	rddreg [dreg:$0x6];
	[sflag:s4] =	ssyncset.done $0x0  }
0x75: {  	[sflag:s4] =	ssyncadd.s32 $0xFFFFC000;
	s12 =	sadd.s32 $0x0, s13  }
0x76: {  	[hbm4b:s12+s2] =	stream.linear.scatter [tilespmem:s1], [sflag:$0xC], $0x4000, $0x38;
	[tilespmem:$0x1E400] =	vst v63  }
0x77: {  	_ =	swait.ge [sflag:s5], $0x4000  }
0x78: {  	[sflag:s5] =	ssyncset.done $0x0  }
0x79: {  	s14 =	simm.s32 $0x1A00;
	[sflag:s5] =	ssyncadd.s32 $0xFFFFC000  }
0x7a: {  	[tilespmem:s23], [sflag:$0x3] =	stream.indirect.gather [hbm4b:s3+s21], $0x20, s14, s21, $0xb8;
	[tilespmem:$0x1E400] =	vst v63  }
0x7b: {  	_ =	swait.ge [sflag:s6], $0x4000  }
0x7c: {  	s15 =	rddreg [dreg:$0x5];
	[sflag:s6] =	ssyncset.done $0x0  }
0x7d: {  	[sflag:s6] =	ssyncadd.s32 $0xFFFFC000;
	s12 =	sadd.s32 $0x0, s15  }
0x7e: {  	[hbm4b:s12+s2] =	stream.linear.scatter [tilespmem:s28], [sflag:$0xD], $0x4000, $0x38;
	[tilespmem:$0x1E400] =	vst v63  }
0x7f: {  	_ =	swait.ge [sflag:s7], $0x4000  }
0x80: {  	[sflag:s7] =	ssyncset.done $0x0  }
0x81: {  	s13 =	simm.s32 $0x1C00;
	s12 =	simm.s32 $0x3000;
	[sflag:s7] =	ssyncadd.s32 $0xFFFFC000  }
.LBB2_2:
0x82: {  	[tilespmem:s25], [sflag:$0x4] =	stream.indirect.gather [hbm4b:s3+s21], $0x20, s13, s21, $0xb8;
	[tilespmem:$0x1E400] =	vst v63  }
0x83: {  	_ =	swait.ge [sflag:s26], $0x4000  }
0x84: {  	s13 =	smov.u32 s12;
	s14 =	rddreg [dreg:$0x8];
	[sflag:s26] =	ssyncset.done $0x0  }
0x85: {  	[sflag:s26] =	ssyncadd.s32 $0xFFFFC000;
	s14 =	sadd.s32 s13, s14  }
0x86: {  	[hbm4b:s14+s2] =	stream.linear.scatter [tilespmem:s22], [sflag:$0x8], $0x4000, $0x38;
	[tilespmem:$0x1E400] =	vst v63  }
0x87: {  	_ =	swait.ge [sflag:s8], $0x4000  }
0x88: {  	s14 =	sshra.s32 s13, $0x2;
	[sflag:s8] =	ssyncset.done $0x0  }
0x89: {  	s15 =	sadd.s32 $0x1200, s14;
	[sflag:s8] =	ssyncadd.s32 $0xFFFFC000  }
0x8a: {  	[tilespmem:s29], [sflag:$0x5] =	stream.indirect.gather [hbm4b:s3+s21], $0x20, s15, s21, $0xb8;
	[tilespmem:$0x1E400] =	vst v63  }
0x8b: {  	_ =	swait.ge [sflag:s30], $0x4000  }
0x8c: {  	s15 =	rddreg [dreg:$0x4];
	[sflag:s30] =	ssyncset.done $0x0  }
0x8d: {  	[sflag:s30] =	ssyncadd.s32 $0xFFFFC000;
	s15 =	sadd.s32 s13, s15  }
0x8e: {  	[hbm4b:s15+s2] =	stream.linear.scatter [tilespmem:s23], [sflag:$0x9], $0x4000, $0x38;
	[tilespmem:$0x1E400] =	vst v63  }
0x8f: {  	_ =	swait.ge [sflag:s9], $0x4000  }
0x90: {  	[sflag:s9] =	ssyncset.done $0x0  }
0x91: {  	s15 =	sadd.s32 $0x1400, s14;
	[sflag:s9] =	ssyncadd.s32 $0xFFFFC000  }
0x92: {  	[tilespmem:s1], [sflag:$0x6] =	stream.indirect.gather [hbm4b:s3+s21], $0x20, s15, s21, $0xb8;
	[tilespmem:$0x1E400] =	vst v63  }
0x93: {  	_ =	swait.ge [sflag:s0], $0x4000  }
0x94: {  	s15 =	rddreg [dreg:$0x3];
	[sflag:s0] =	ssyncset.done $0x0  }
0x95: {  	[sflag:s0] =	ssyncadd.s32 $0xFFFFC000;
	s15 =	sadd.s32 s13, s15  }
0x96: {  	[hbm4b:s15+s2] =	stream.linear.scatter [tilespmem:s25], [sflag:$0xA], $0x4000, $0x38;
	[tilespmem:$0x1E400] =	vst v63  }
0x97: {  	_ =	swait.ge [sflag:s10], $0x4000  }
0x98: {  	[sflag:s10] =	ssyncset.done $0x0  }
0x99: {  	s15 =	sadd.s32 $0x1600, s14;
	[sflag:s10] =	ssyncadd.s32 $0xFFFFC000  }
0x9a: {  	[tilespmem:s28], [sflag:$0x7] =	stream.indirect.gather [hbm4b:s3+s21], $0x20, s15, s21, $0xb8;
	[tilespmem:$0x1E400] =	vst v63  }
0x9b: {  	_ =	swait.ge [sflag:s31], $0x4000  }
0x9c: {  	s15 =	rddreg [dreg:$0x7];
	[sflag:s31] =	ssyncset.done $0x0  }
0x9d: {  	[sflag:s31] =	ssyncadd.s32 $0xFFFFC000;
	s15 =	sadd.s32 s13, s15  }
0x9e: {  	[hbm4b:s15+s2] =	stream.linear.scatter [tilespmem:s29], [sflag:$0xB], $0x4000, $0x38;
	[tilespmem:$0x1E400] =	vst v63  }
0x9f: {  	_ =	swait.ge [sflag:s24], $0x4000  }
0xa0: {  	[sflag:s24] =	ssyncset.done $0x0  }
0xa1: {  	s15 =	sadd.s32 $0x1800, s14;
	[sflag:s24] =	ssyncadd.s32 $0xFFFFC000  }
0xa2: {  	[tilespmem:s22], [sflag:$0x2] =	stream.indirect.gather [hbm4b:s3+s21], $0x20, s15, s21, $0xb8;
	[tilespmem:$0x1E400] =	vst v63  }
0xa3: {  	_ =	swait.ge [sflag:s4], $0x4000  }
0xa4: {  	s15 =	rddreg [dreg:$0x6];
	[sflag:s4] =	ssyncset.done $0x0  }
0xa5: {  	[sflag:s4] =	ssyncadd.s32 $0xFFFFC000;
	s15 =	sadd.s32 s13, s15  }
0xa6: {  	[hbm4b:s15+s2] =	stream.linear.scatter [tilespmem:s1], [sflag:$0xC], $0x4000, $0x38;
	[tilespmem:$0x1E400] =	vst v63  }
0xa7: {  	_ =	swait.ge [sflag:s5], $0x4000  }
0xa8: {  	[sflag:s5] =	ssyncset.done $0x0  }
0xa9: {  	s15 =	sadd.s32 $0x1A00, s14;
	[sflag:s5] =	ssyncadd.s32 $0xFFFFC000  }
0xaa: {  	[tilespmem:s23], [sflag:$0x3] =	stream.indirect.gather [hbm4b:s3+s21], $0x20, s15, s21, $0xb8;
	[tilespmem:$0x1E400] =	vst v63  }
0xab: {  	_ =	swait.ge [sflag:s6], $0x4000  }
0xac: {  	p0 =	sne.s32 s12, $0xF000;
	s15 =	rddreg [dreg:$0x5];
	[sflag:s6] =	ssyncset.done $0x0  }
.Ltmp0:
0xad: {  	[sflag:s6] =	ssyncadd.s32 $0xFFFFC000;
	s13 =	sadd.s32 s13, s15;
	(pc) =	sbr.rel @p0 .LBB2_2-.Ltmp0, $4  }
0xae: {  	[hbm4b:s13+s2] =	stream.linear.scatter [tilespmem:s28], [sflag:$0xD], $0x4000, $0x38;
	[tilespmem:$0x1E400] =	vst v63  }
0xaf: {  	_ =	swait.ge [sflag:s7], $0x4000  }
0xb0: {  	[sflag:s7] =	ssyncset.done $0x0  }
0xb1: {  	s12 =	sadd.s32 $0x3000, s12;
	s13 =	sadd.s32 $0x1C00, s14;
	[sflag:s7] =	ssyncadd.s32 $0xFFFFC000  }
0xb2: {  	[tilespmem:s25], [sflag:$0x4] =	stream.indirect.gather [hbm4b:s3+s21], $0x20, s13, s21, $0xb8;
	[tilespmem:$0x1E400] =	vst v63  }
0xb3: {  	_ =	swait.ge [sflag:s26], $0x4000  }
0xb4: {  	[sflag:s26] =	ssyncset.done $0x0  }
0xb5: {  	s12 =	rddreg [dreg:$0x10];
	[sflag:s26] =	ssyncadd.s32 $0xFFFFC000  }
0xb6: {  	[hbm4b:s12+s2] =	stream.linear.scatter [tilespmem:s22], [sflag:$0x8], $0x4000, $0x38;
	[tilespmem:$0x1E400] =	vst v63  }
0xb7: {  	_ =	swait.ge [sflag:s8], $0x4000  }
0xb8: {  	[sflag:s8] =	ssyncset.done $0x0  }
0xb9: {  	s13 =	simm.s32 $0x5A00;
	[sflag:s8] =	ssyncadd.s32 $0xFFFFC000  }
0xba: {  	[tilespmem:s29], [sflag:$0x5] =	stream.indirect.gather [hbm4b:s3+s21], $0x20, s13, s21, $0xb8;
	[tilespmem:$0x1E400] =	vst v63  }
0xbb: {  	_ =	swait.ge [sflag:s30], $0x4000  }
0xbc: {  	[sflag:s30] =	ssyncset.done $0x0  }
0xbd: {  	s14 =	rddreg [dreg:$0x11];
	[sflag:s30] =	ssyncadd.s32 $0xFFFFC000  }
0xbe: {  	[hbm4b:s14+s2] =	stream.linear.scatter [tilespmem:s23], [sflag:$0x9], $0x4000, $0x38;
	[tilespmem:$0x1E400] =	vst v63  }
0xbf: {  	_ =	swait.ge [sflag:s9], $0x4000  }
0xc0: {  	[sflag:s9] =	ssyncset.done $0x0  }
0xc1: {  	s15 =	simm.s32 $0x5C00;
	[sflag:s9] =	ssyncadd.s32 $0xFFFFC000  }
0xc2: {  	[tilespmem:s1], [sflag:$0x6] =	stream.indirect.gather [hbm4b:s3+s21], $0x20, s15, s21, $0xb8;
	[tilespmem:$0x1E400] =	vst v63  }
0xc3: {  	_ =	swait.ge [sflag:s0], $0x4000  }
0xc4: {  	[sflag:s0] =	ssyncset.done $0x0  }
0xc5: {  	s13 =	rddreg [dreg:$0x12];
	[sflag:s0] =	ssyncadd.s32 $0xFFFFC000  }
0xc6: {  	[hbm4b:s13+s2] =	stream.linear.scatter [tilespmem:s25], [sflag:$0xA], $0x4000, $0x38;
	[tilespmem:$0x1E400] =	vst v63  }
0xc7: {  	_ =	swait.ge [sflag:s10], $0x4000  }
0xc8: {  	[sflag:s10] =	ssyncset.done $0x0  }
0xc9: {  	s14 =	simm.s32 $0x5E00;
	[sflag:s10] =	ssyncadd.s32 $0xFFFFC000  }
0xca: {  	[tilespmem:s28], [sflag:$0x7] =	stream.indirect.gather [hbm4b:s3+s21], $0x20, s14, s21, $0xb8;
	[tilespmem:$0x1E400] =	vst v63  }
0xcb: {  	_ =	swait.ge [sflag:s31], $0x4000  }
0xcc: {  	[sflag:s31] =	ssyncset.done $0x0  }
0xcd: {  	s15 =	rddreg [dreg:$0x13];
	[sflag:s31] =	ssyncadd.s32 $0xFFFFC000  }
0xce: {  	[hbm4b:s15+s2] =	stream.linear.scatter [tilespmem:s29], [sflag:$0xB], $0x4000, $0x38;
	[tilespmem:$0x1E400] =	vst v63  }
0xcf: {  	_ =	swait.ge [sflag:s24], $0x4000  }
0xd0: {  	[sflag:s24] =	ssyncset.done $0x0  }
0xd1: {  	s13 =	simm.s32 $0x6000;
	[sflag:s24] =	ssyncadd.s32 $0xFFFFC000  }
0xd2: {  	[tilespmem:s22], [sflag:$0x2] =	stream.indirect.gather [hbm4b:s3+s21], $0x20, s13, s21, $0xb8;
	[tilespmem:$0x1E400] =	vst v63  }
0xd3: {  	_ =	swait.ge [sflag:s4], $0x4000  }
0xd4: {  	[sflag:s4] =	ssyncset.done $0x0  }
0xd5: {  	s14 =	rddreg [dreg:$0x14];
	[sflag:s4] =	ssyncadd.s32 $0xFFFFC000  }
0xd6: {  	[hbm4b:s14+s2] =	stream.linear.scatter [tilespmem:s1], [sflag:$0xC], $0x4000, $0x38;
	[tilespmem:$0x1E400] =	vst v63  }
0xd7: {  	_ =	swait.ge [sflag:s5], $0x4000  }
0xd8: {  	[sflag:s5] =	ssyncset.done $0x0  }
0xd9: {  	s15 =	simm.s32 $0x6200;
	[sflag:s5] =	ssyncadd.s32 $0xFFFFC000  }
0xda: {  	[tilespmem:s23], [sflag:$0x3] =	stream.indirect.gather [hbm4b:s3+s21], $0x20, s15, s21, $0xb8;
	[tilespmem:$0x1E400] =	vst v63  }
0xdb: {  	_ =	swait.ge [sflag:s6], $0x4000  }
0xdc: {  	[sflag:s6] =	ssyncset.done $0x0  }
0xdd: {  	[sflag:s6] =	ssyncadd.s32 $0xFFFFC000  }
0xde: {  	[hbm4b:s16+s2] =	stream.linear.scatter [tilespmem:s28], [sflag:$0xD], $0x4000, $0x38;
	[tilespmem:$0x1E400] =	vst v63  }
0xdf: {  	_ =	swait.ge [sflag:s26], $0x4000  }
0xe0: {  	[sflag:s26] =	ssyncset.done $0x0  }
0xe1: {  	[sflag:s26] =	ssyncadd.s32 $0xFFFFC000  }
0xe2: {  	[hbm4b:s17+s2] =	stream.linear.scatter [tilespmem:s22], [sflag:$0x8], $0x4000, $0x38;
	[tilespmem:$0x1E400] =	vst v63  }
0xe3: {  	_ =	swait.ge [sflag:s30], $0x4000  }
0xe4: {  	[sflag:s30] =	ssyncset.done $0x0  }
0xe5: {  	[sflag:s30] =	ssyncadd.s32 $0xFFFFC000  }
0xe6: {  	[hbm4b:s18+s2] =	stream.linear.scatter [tilespmem:s23], [sflag:$0x9], $0x4000, $0x38;
	[tilespmem:$0x1E400] =	vst v63  }
0xe7: {  	_ =	swait.ge [sflag:s7], $0x4000  }
0xe8: {  	[sflag:s7] =	ssyncset.done $0x0  }
0xe9: {  	[sflag:s7] =	ssyncadd.s32 $0xFFFFC000  }
0xea: {  	_ =	swait.ge [sflag:s8], $0x4000  }
0xeb: {  	[sflag:s8] =	ssyncset.done $0x0  }
0xec: {  	[sflag:s8] =	ssyncadd.s32 $0xFFFFC000  }
0xed: {  	_ =	swait.ge [sflag:s9], $0x4000  }
0xee: {  	[sflag:s9] =	ssyncset.done $0x0  }
0xef: {  	[sflag:s9] =	ssyncadd.s32 $0xFFFFC000  }
0xf0: {  	_ =	swait.ge [sflag:s10], $0x4000  }
0xf1: {  	[sflag:s10] =	ssyncset.done $0x0  }
0xf2: {  	s11 =	sadd.s32 $0x1, s11;
	[sflag:s10] =	ssyncadd.s32 $0xFFFFC000  }
0xf3: {  	p0 =	sne.s32 s11, s19;
	_ =	swait.ge [sflag:s24], $0x4000  }
.Ltmp1:
0xf4: {  	[sflag:s24] =	ssyncset.done $0x0;
	(pc) =	sbr.rel @p0 .LBB2_1-.Ltmp1, $4  }
0xf5: {  	[sflag:s24] =	ssyncadd.s32 $0xFFFFC000  }
0xf6: {  	_ =	swait.ge [sflag:s5], $0x4000  }
0xf7: {  	[sflag:s5] =	ssyncset.done $0x0  }
0xf8: {  	[sflag:s5] =	ssyncadd.s32 $0xFFFFC000  }
0xf9: {  	_ =	sfence.sel $0x180000  }
0xfa: {  	[bflag:$0x0] =	sbarrier.arrive $0xFFFF  }
0xfb: {  	_ =	strace $0x90000047  }
0xfc: {  	s0 =	stileid.u32;
	[bflag:$0x2] =	sbarrier.arrive $0xFFFF  }
0xfd: {  	p0 =	sne.s32 s0, $0x0;
	s0 =	rddreg [dreg:$0x2]  }
0xfe: {  	s0 =	sadd.s32 @!p0 $0x100000, s0  }
0xff: {  	[sflag:s0] =	ssyncadd.tile.s32 @!p0 $0x1;
	_ =	shalt  }
.Lfunc_end2:
_tile_overlayer_lowered:
.L_overlay_start_2:
0x100: {  	(tag) =	ssettag $0x2  }
0x101: {  	s0 =	rddreg [dreg:$0x0];
	s2 =	stileid.u32  }
0x102: {  	s1 =	rddreg [dreg:$0x1];
	p0 =	sne.s32 s2, $0x0  }
0x103: {  	s3 =	rddreg [dreg:$0x2];
	[bflag:$0x3] =	sbarrier.arrive $0xFFFF;
	s2 =	simm.s32 @!p0 $0x1C0E  }
0x104: {  	[timem:s3], [sflag:s2] =	dma.local @!p0 [hbm:s0], s1  }
0x105: {  	s0 =	simm.s32 @!p0 $0xE  }
0x106: {  	_ =	swait.ge @!p0 [sflag:s0], s1  }
0x107: {  	s1 =	ssub.s32 @!p0 $0x0, s1;
	[sflag:s0] =	ssyncset.done @!p0 $0x0  }
0x108: {  	[sflag:s0] =	ssyncadd.s32 @!p0 s1  }
0x109: {  	[bflag:$0x3] =	sbarrier.arrive $0xFFFF  }
0x10a: {  	_ =	shalt  }

// kernel: sparse-core-data-format-call.cloned.1.call-start
scs
called_computation_lowered:
.L_overlay_start_0:
0x0: {  	s2 =	sld [smem:$0x3FD9]  }
0x1: {  	s3 =	sld [smem:$0x3FFE];
	_ =	sdelay $0x1  }
0x2: {  	s1 =	srdreg.scid  }
0x3: {  	s0 =	sand.u32 $0x1, s1  }
0x4: {  	s18 =	sshll.u32 s0, $0xA;
	s2 =	sadd.s32 s3, s2  }
0x5: {  	s2 =	sadd.s32 s2, s18  }
0x6: {  	[smem:$0x3FC6] =	sst s2  }
0x7: {  	_ = 	snop  }
0x8: {  	s2 =	sld [smem:$0x3FD0];
	(tm) =	ssettm $0x1  }
0x9: {  	s19 =	sld [smem:$0x3FFB];
	_ =	sdelay $0x3  }
0xa: {  	_ =	strace s19  }
0xb: {  	s3 =	sld [smem:$0x3FFC];
	_ =	sdelay $0x3  }
0xc: {  	_ =	strace s3  }
0xd: {  	s3 =	sld [smem:$0x3FFD];
	_ =	sdelay $0x3  }
0xe: {  	_ =	strace s3  }
0xf: {  	_ =	strace $0x8FFFFFFF  }
0x10: {  	s20 =	sld [smem:$0x3FDB];
	_ =	sdelay $0x1  }
0x11: {  	s4 =	simm.s32 $_scs_section_size  }
0x12: {  	s5 =	simm.s32 $_size__tile_overlayer_lowered;
	s6 =	simm.s32 $_tile_overlayer_lowered  }
0x13: {  	s23 =	simm.s32 $0x1BFF;
	s22 =	sshll.u32 s6, $0x1;
	s3 =	sadd.s32 s4, s20  }
0x14: {  	s7 =	simm.s32 $0x0;
	s21 =	sshll.u32 s5, $0x1;
	s5 =	sadd.s32 s22, s3  }
0x15: {  	[timem:s7], [sflag:s23] =	dma.local [hbm:s5], s21  }
0x16: {  	_ =	swait.ge [sflag:s23], s21  }
0x17: {  	s4 =	ssub.s32 $0x0, s21;
	[sflag:s23] =	ssyncset.done $0x0  }
0x18: {  	[sflag:s23] =	ssyncadd.s32 s4;
	_ =	sdelay $0x1  }
0x19: {  	s24 =	simm.s32 $0x1B8B  }
0x1a: {  	_ =	swait.ge [sflag:s24], $0x1  }
0x1b: {  	[sflag:s24] =	ssyncset.done $0x0  }
0x1c: {  	s26 =	simm.s32 $0x1B8E;
	s25 =	sld [smem:$0x3FFE];
	[sflag:s24] =	ssyncadd.s32 $0xFFFFFFFF  }
0x1d: {  	s27 =	simm.s32 $execute0_lowered;
	[smem:$0x3FD2] =	sst s26  }
0x1e: {  	s5 =	sshll.u32 s27, $0x1;
	_ =	strace $0x80000049;
	[dreg:$0x1] =	wrdreg $0xFFFFFFFF  }
0x1f: {  	s28 =	simm.s32 $_size_execute0_lowered;
	s3 =	sadd.s32 s3, s5;
	[dreg:$0x0] =	wrdreg $0x0  }
0x20: {  	s5 =	sshll.u32 s28, $0x1;
	[dreg:$0x2] =	wrdreg s3  }
0x21: {  	[dreg:$0x3] =	wrdreg s5  }
0x22: {  	[dreg:$0x4] =	wrdreg $0xC0  }
0x23: {  	_ =	task [dreg:s7], $0x5FFFF  }
0x24: {  	[dreg:$0x1] =	wrdreg $0xFFFFFFFF  }
0x25: {  	[dreg:$0x0] =	wrdreg $0x60  }
0x26: {  	[dreg:$0x2] =	wrdreg s25  }
0x27: {  	[dreg:$0x3] =	wrdreg s2  }
0x28: {  	[dreg:$0x4] =	wrdreg $0x9  }
0x29: {  	_ =	task.clear_ibuf [dreg:s7], $0x5FFFF;
	_ =	strace $0x90000049  }
0x2a: {  	s29 =	simm.s32 $0x9;
	_ =	strace $0x8000004B  }
0x2b: {  	_ =	swait.ge [sflag:s29], $0x1  }
0x2c: {  	[sflag:s29] =	ssyncadd.s32 $0xFFFFFFFF  }
0x2d: {  	_ =	strace $0x9000004B  }
0x2e: {  	_ =	sfence  }
0x2f: {  	s30 =	sld [smem:$0x0];
	_ =	sdelay $0x2  }
0x30: {  	s31 =	sshll.u32 s1, $0xD;
	s1 =	sshrl.u32 s1, $0x2  }
0x31: {  	s3 =	sand.u32 $0x4000, s31;
	s1 =	sadd.s32 s1, s30  }
0x32: {  	s0 =	sor.u32 s3, s0;
	s1 =	sshll.u32 s1, $0x11  }
0x33: {  	s0 =	sor.u32 s1, s0  }
0x34: {  	s0 =	sadd.s32 $0x8F2B, s0  }
0x35: {  	[sflag:s0] =	ssyncadd.remote.s32 $0x1  }
0x36: {  	_ =	sfence.sel $0xFFFF  }
0x37: {  	[dreg:$0x0] =	wrdreg $0xFFFFFFFF;
	(pc) =	sbr.abs _section_cstart, $3  }
0x38: {  	[dreg:$0x1] =	wrdreg $0xFFFFFFFF  }
0x39: {  	_ =	task.clear_ibuf [dreg:s7], $0x2FFFF;
	_ =	strace $0x9FFFFFFF  }
0x3a: {  	(tm) =	ssettm $0x7FFFFFFF  }
0x3b: {  	_ =	shalt  }
tec
execute0_lowered:
.L_overlay_start_1:
0x0: {  	(tag) =	ssettag $0x1  }
0x1: {  	s0 =	stileid.u32;
	s5 =	rddreg [dreg:$0x0]  }
0x2: {  	s1 =	srdreg.scid;
	s2 =	rddreg [dreg:$0x1]  }
0x3: {  	s8 =	simm.s32 $0x1;
	s9 =	simm.s32 $0x1;
	s31 =	simm.s32 $0x2  }
0x4: {  	s16 =	simm.s32 $0x0;
	s12 =	simm.s32 $0x400;
	s13 =	simm.s32 $0x1000  }
0x5: {  	s17 =	simm.s32 $0x0;
	s3 =	sshll.u32 s0, $0x4;
	s1 =	sshll.u32 s1, $0x8  }
0x6: {  	s15 =	simm.s32 $0x0;
	s4 =	sshll.u32 s0, $0x2;
	s3 =	sor.u32 s3, s1  }
0x7: {  	s1 =	rddreg [dreg:$0x2];
	s4 =	sand.u32 $0x1C, s4;
	s3 =	sand.u32 $0x180, s3  }
0x8: {  	_ =	strace $0x8000004A;
	s7 =	ssub.s32 $0x640, s4;
	s6 =	sshll.u32 s3, $0x4  }
0x9: {  	s28 =	sand.u32 $0x1C, s7;
	s29 =	ssub.s32 $0x200, s3;
	s7 =	sshrl.u32 s7, $0x5  }
0xa: {  	s10 =	sadd.s32 s6, s5;
	p0 =	sne.s32 s28, $0x0;
	s30 =	sand.u32 $0x180, s29  }
0xb: {  	s6 =	sshrl.u32 s29, $0x9;
	s8 =	simm.s32 @!p0 $0x0;
	p0 =	sne.s32 s30, $0x0  }
.Ltmp0:
0xc: {  	s5 =	simm.s32 $0x1;
	s9 =	simm.s32 @!p0 $0x0;
	(pc) =	sbr.rel .LBB1_1-.Ltmp0, $4  }
0xd: {  	[sflag:s5] =	ssyncpa.u1 $0x0;
	s7 =	sadd.s32 s8, s7;
	s6 =	sadd.s32 s9, s6  }
0xe: {  	s14 =	smov.u32 s4;
	[sflag:s31] =	ssyncpa.u1 $0x0;
	s6 =	smul.u32 s7, s6  }
0xf: {  	s8 =	sadd.s32 $0x2A00, s10;
	p0 =	por $0x0, $0x0;
	s9 =	sadd.s32 $0x4A00, s10  }
0x10: {  	s7 =	sadd.s32 $0xA00, s10;
	s10 =	sadd.s32 $0x6A00, s10;
	s11 =	sadd.s32 $0x1, s6  }
.LBB1_7:
0x11: {  	s18 =	sadd.s32 $0x20, s14  }
0x12: {  	p2 =	sgt.s32 s18, $0x63F  }
0x13: {  	s18 =	smov.u32 @p2 s4;
	p2 =	sne.s32 s15, s11  }
.Ltmp1:
0x14: {  	p1 =	slt.u32 s15, $0x2;
	(pc) =	sbr.rel @!p2 .LBB1_8-.Ltmp1, $4  }
0x15: {  	s16 =	simm.s32 @!p1 $0x2  }
0x16: {  	s19 =	sadd.s32 $0x1, s15;
	s17 =	smov.u32 s14;
	_ =	swait.ge @!p1 [sflag:s16], $0x4000  }
0x17: {  	p0 =	por !p0, !p0;
	s15 =	smov.u32 s19;
	[sflag:s16] =	ssyncset.done @!p1 $0x0  }
0x18: {  	s14 =	smov.u32 s18;
	[sflag:s16] =	ssyncadd.s32 @!p1 $0xFFFFC000;
	s16 =	smov.u32 s3  }
.LBB1_1:
0x19: {  	p1 =	sge.u32 s15, s6  }
0x1a: {  	s18 =	sxor.u32 @!p1 $0xFFFFFFFF, s15  }
0x1b: {  	s19 =	sshll.u32 @!p1 s14, $0xD;
	s21 =	simm.s32 @!p1 $0x20;
	s18 =	sshll.u32 @!p1 s18, $0xE  }
0x1c: {  	s22 =	simm.s32 @!p1 $0x80;
	s20 =	sadd.s32 @!p1 s19, s7;
	s18 =	sand.u32 @!p1 $0x4000, s18  }
0x1d: {  	[tilespmem:s18], [sflag:$0x1] =	stream.strided.gather @!p1 [hbm4b:s20+s21], $0x1000, s22, s21, $0x38;
	[tilespmem:$0x10100] =	vst v63  }
0x1e: {  	s20 =	sadd.s32 @!p1 s19, s8;
	s23 =	sor.u32 @!p1 $0x1000, s18  }
0x1f: {  	[tilespmem:s23], [sflag:$0x1] =	stream.strided.gather @!p1 [hbm4b:s20+s21], $0x1000, s22, s21, $0x38;
	[tilespmem:$0x10100] =	vst v63  }
0x20: {  	s20 =	sadd.s32 @!p1 s19, s9;
	s23 =	sor.u32 @!p1 $0x2000, s18  }
0x21: {  	[tilespmem:s23], [sflag:$0x1] =	stream.strided.gather @!p1 [hbm4b:s20+s21], $0x1000, s22, s21, $0x38;
	[tilespmem:$0x10100] =	vst v63  }
0x22: {  	s31 =	sadd.s32 $0xFFFFFFFF, s15;
	s19 =	sadd.s32 @!p1 s19, s10;
	s18 =	sor.u32 @!p1 $0x3000, s18  }
0x23: {  	[tilespmem:s18], [sflag:$0x1] =	stream.strided.gather @!p1 [hbm4b:s19+s21], $0x1000, s22, s21, $0x38;
	[tilespmem:$0x10100] =	vst v63  }
0x24: {  	p1 =	sge.u32 s31, s6  }
.Ltmp2:
0x25: {  	_ = 	snop;
	(pc) =	sbr.rel @p1 .LBB1_7-.Ltmp2, $1  }
0x26: {  	_ =	sdelay $0x3  }
0x27: {  	s19 =	simm.s32 $0x1;
	s20 =	sand.u32 $0x1, s15  }
0x28: {  	_ =	swait.ge [sflag:s5], $0x4000;
	s19 =	simm.s32 @!p0 $0x0;
	s21 =	smul.u32 $0x10200, s20  }
0x29: {  	[sflag:s5] =	ssyncset.done $0x0;
	s18 =	smul.u32 $0x10200, s19  }
0x2a: {  	s19 =	sshll.u32 s19, $0xE;
	[sflag:s5] =	ssyncadd.s32 $0xFFFFC000  }
0x2b: {  	s20 =	sor.u32 $0x10, s19;
	s31 =	sshrl.u32 s21, $0x2;
	s18 =	sshrl.u32 s18, $0x2  }
0x2c: {  	s21 =	simm.s32 $0x0;
	s19 =	sor.u32 $0x8000, s31;
	s18 =	sor.u32 $0x8000, s18  }
.LBB1_3:
0x2d: {  	v1 =	vld [tilespmem:s20+$0x0]  }
0x2e: {  	v0 =	vld [tilespmem:s20+$0xFFFFFFF0];
	_ =	sdelay $0x2  }
0x2f: {  	s24 =	sadd.s32 $0x0, s18  }
0x30: {  	s22 =	simm.s32 $0x4;
	s23 =	sadd.s32 $0x20, s20;
	[tilespmem:s24+$0x810 ss:$0x81] =	vst.msk $0xffff, v1  }
.LBB1_4:
0x31: {  	v1 =	vld [tilespmem:s23+$0x0];
	p1 =	sne.s32 s22, $0x1FC;
	[tilespmem:s24+$0x0 ss:$0x81] =	vst.msk $0xffff, v0;
	s24 =	smov.u32 s22;
	s22 =	sadd.s32 $0x4, s22  }
.Ltmp3:
0x32: {  	v0 =	vld [tilespmem:s23+$0xFFFFFFF0];
	(pc) =	sbr.rel @p1 .LBB1_4-.Ltmp3, $4  }
0x33: {  	_ = 	snop  }
0x34: {  	s24 =	sshra.s32 s24, $0x2  }
0x35: {  	s24 =	sadd.s32 s24, s18  }
0x36: {  	s23 =	sadd.s32 $0x20, s23;
	[tilespmem:s24+$0x810 ss:$0x81] =	vst.msk $0xffff, v1  }
0x37: {  	s21 =	sadd.s32 $0x1, s21  }
0x38: {  	p1 =	sne.s32 s21, $0x4  }
.Ltmp4:
0x39: {  	_ = 	snop;
	(pc) =	sbr.rel @p1 .LBB1_3-.Ltmp4, $2  }
0x3a: {  	_ =	sdelay $0x2  }
0x3b: {  	[tilespmem:s24+$0x0 ss:$0x81] =	vst.msk $0xffff, v0;
	s18 =	sadd.s32 $0x1020, s18;
	s20 =	sadd.s32 $0x1000, s20  }
.Ltmp5:
0x3c: {  	(pc) =	sbr.rel .LBB1_7-.Ltmp5, $4  }
0x3d: {  	_ = 	snop  }
0x3e: {  	s17 =	sshll.u32 s17, $0xB;
	s16 =	sadd.s32 s2, s16  }
0x3f: {  	s16 =	sadd.s32 s17, s16  }
0x40: {  	[hbm4b:s16+s12] =	stream.strided.scatter [tilespmem:s19], [sflag:$0x2], $0x4000, s13, s12, $0x20;
	[tilespmem:$0x10100] =	vst v63  }
.LBB1_8:
0x41: {  	_ =	sfence.sel $0x180000  }
0x42: {  	s2 =	simm.s32 $0x1;
	[bflag:$0x0] =	sbarrier.arrive $0xFFFF  }
0x43: {  	s31 =	simm.s32 $0x2;
	[sflag:s2] =	ssyncpa.u1 $0x1  }
0x44: {  	[sflag:s31] =	ssyncpa.u1 $0x1  }
0x45: {  	p0 =	sne.s32 s0, $0x0;
	_ =	strace $0x9000004A  }
0x46: {  	s0 =	sadd.s32 @!p0 $0x100000, s1;
	[bflag:$0x2] =	sbarrier.arrive $0xFFFF  }
0x47: {  	[sflag:s0] =	ssyncadd.tile.s32 @!p0 $0x1;
	_ =	shalt  }
.Lfunc_end1:
_tile_overlayer_lowered:
.L_overlay_start_2:
0x48: {  	(tag) =	ssettag $0x2  }
0x49: {  	s0 =	rddreg [dreg:$0x0];
	s2 =	stileid.u32  }
0x4a: {  	s1 =	rddreg [dreg:$0x1];
	p0 =	sne.s32 s2, $0x0  }
0x4b: {  	s3 =	rddreg [dreg:$0x2];
	[bflag:$0x3] =	sbarrier.arrive $0xFFFF;
	s2 =	simm.s32 @!p0 $0x1C01  }
0x4c: {  	[timem:s3], [sflag:s2] =	dma.local @!p0 [hbm:s0], s1  }
0x4d: {  	s0 =	simm.s32 @!p0 $0x1  }
0x4e: {  	_ =	swait.ge @!p0 [sflag:s0], s1  }
0x4f: {  	s1 =	ssub.s32 @!p0 $0x0, s1;
	[sflag:s0] =	ssyncset.done @!p0 $0x0  }
0x50: {  	[sflag:s0] =	ssyncadd.s32 @!p0 s1  }
0x51: {  	[bflag:$0x3] =	sbarrier.arrive $0xFFFF  }
0x52: {  	_ =	shalt  }

</sc_bundles>
